<compile_context>
chip_gen: v7x
topology: tpu7x:2x2x1
jax: 0.10.2.dev20260603
libtpu: 0.0.44.dev20260713+nightly
codegen_flags: <defaults>
</compile_context>

<pallas_src>
import functools

import jax
import jax.numpy as jnp
from jax import lax
from jax.experimental import pallas as pl
from jax.experimental.pallas import tpu as pltpu
from jax.experimental.pallas import tpu_sc as plsc

VOCAB = 148
P = 50
D = 128
B = 4096
VPAD = 160
NC, NS = 2, 16
NW = NC * NS
LANES = 16

B_SC = 1792
BPW = B_SC // NW
CHUNK = 2
NCHUNK = 25
POS_ROWS = NCHUNK * CHUNK
ZROW = VPAD + VOCAB



PBLK = 10


def _proj_body(table_ref, w_ref, b_ref, out_ref, out16_ref):
    pid = pl.program_id(0)
    for q in range(PBLK):
        acc = jnp.dot(table_ref[...], w_ref[q],
                      preferred_element_type=jnp.float32)
        if q == 0:
            scale = jnp.where(pid == 0, 1.0, 0.0).astype(jnp.float32)
            acc = acc + scale * b_ref[0]
        out_ref[q] = acc
        out16_ref[q] = acc.astype(jnp.bfloat16)


def _build_m(table_pad, w3, bias_row):
    return pl.pallas_call(
        _proj_body,
        grid=(P // PBLK,),
        in_specs=[
            pl.BlockSpec((VPAD, D), lambda p: (0, 0)),
            pl.BlockSpec((PBLK, D, D), lambda p: (p, 0, 0)),
            pl.BlockSpec((1, D), lambda p: (0, 0)),
        ],
        out_specs=[
            pl.BlockSpec((PBLK, VPAD, D), lambda p: (p, 0, 0)),
            pl.BlockSpec((PBLK, VPAD, D), lambda p: (p, 0, 0)),
        ],
        out_shape=[
            jax.ShapeDtypeStruct((P, VPAD, D), jnp.float32),
            jax.ShapeDtypeStruct((P, VPAD, D), jnp.bfloat16),
        ],
    )(table_pad, w3, bias_row)



_mesh = plsc.VectorSubcoreMesh(core_axis_name="c", subcore_axis_name="s")


@functools.partial(
    pl.kernel,
    mesh=_mesh,
    out_type=jax.ShapeDtypeStruct((B_SC, D), jnp.float32),
    scratch_types=[
        pltpu.VMEM((POS_ROWS * BPW,), jnp.int32),
        pltpu.VMEM((CHUNK * BPW, D), jnp.float32),
        pltpu.VMEM((CHUNK * BPW, D), jnp.float32),
        pltpu.VMEM((BPW, D), jnp.float32),
        pltpu.SemaphoreType.DMA,
        pltpu.SemaphoreType.DMA,
    ],
)
def _sc_gather_sum(m_hbm, idx_hbm, out_hbm, idx_v, buf_a, buf_b, acc_v,
                   ga, gb):
    c = lax.axis_index("c")
    s = lax.axis_index("s")
    wid = s * NC + c
    cb = CHUNK * BPW

    pltpu.sync_copy(idx_hbm.at[wid], idx_v)

    def gidx(t):
        return idx_v.at[pl.ds(cb * t, cb)]

    zero = jnp.zeros((LANES,), jnp.float32)

    def zero_body(i, carry):
        for k in range(D // LANES):
            acc_v[i, pl.ds(k * LANES, LANES)] = zero
        return carry

    lax.fori_loop(0, BPW, zero_body, 0)

    def accum(buf):
        def row_body(i, carry):
            for k in range(D // LANES):
                sl = pl.ds(k * LANES, LANES)
                v = buf[i, sl]
                for r in range(1, CHUNK):
                    v = v + buf[r * BPW + i, sl]
                plsc.addupdate(acc_v.at[i, sl], v)
            return carry

        lax.fori_loop(0, BPW, row_body, 0)

    pltpu.async_copy(m_hbm.at[gidx(0)], buf_a, ga)

    def pair_body(t, carry):
        u = 2 * t
        pltpu.make_async_copy(m_hbm.at[gidx(u)], buf_a, ga).wait()
        pltpu.async_copy(m_hbm.at[gidx(u + 1)], buf_b, gb)
        accum(buf_a)
        pltpu.make_async_copy(m_hbm.at[gidx(u + 1)], buf_b, gb).wait()
        pltpu.async_copy(m_hbm.at[gidx(u + 2)], buf_a, ga)
        accum(buf_b)
        return carry

    lax.fori_loop(0, (NCHUNK - 1) // 2, pair_body, 0)
    pltpu.make_async_copy(m_hbm.at[gidx(NCHUNK - 1)], buf_a, ga).wait()
    accum(buf_a)

    pltpu.sync_copy(acc_v, out_hbm.at[pl.ds(wid * BPW, BPW)])



BT = 2304


def _tc_body(x_ref, m_ref, out_ref):
    p = pl.program_id(1)
    xrow = x_ref[0, 0, :]
    iota = lax.broadcasted_iota(jnp.int32, (VPAD, BT), 0)
    oh = (iota == xrow[None, :]).astype(jnp.bfloat16)
    partial = lax.dot_general(oh, m_ref[0], (((0,), (0,)), ((), ())),
                              preferred_element_type=jnp.float32)

    @pl.when(p == 0)
    def _():
        out_ref[...] = partial

    @pl.when(p != 0)
    def _():
        out_ref[...] += partial


def _tc_onehot_sum(x3, m3, n_rows):
    return pl.pallas_call(
        _tc_body,
        grid=(n_rows // BT, P),
        in_specs=[
            pl.BlockSpec((1, 1, BT), lambda bt, p: (p, 0, bt)),
            pl.BlockSpec((1, VPAD, D), lambda bt, p: (p, 0, 0)),
        ],
        out_specs=pl.BlockSpec((BT, D), lambda bt, p: (bt, 0)),
        out_shape=jax.ShapeDtypeStruct((n_rows, D), jnp.float32),
    )(x3, m3)


def kernel(x, table, W, b):
    table_pad = jnp.zeros((VPAD, D), jnp.float32).at[:VOCAB].set(table)
    w3 = W.reshape(P, D, D)
    m32, m3 = _build_m(table_pad, w3, b.reshape(1, D))
    m = m32.reshape(P * VPAD, D)

    xi = x.astype(jnp.int32)

    xw = xi[:B_SC].reshape(NW, BPW, P).transpose(0, 2, 1)
    fidx = xw + (jnp.arange(P, dtype=jnp.int32) * VPAD)[None, :, None]
    pad = jnp.full((NW, POS_ROWS - P, BPW), ZROW, jnp.int32)
    fidx = jnp.concatenate([fidx, pad], axis=1).reshape(NW, -1)
    out_sc = _sc_gather_sum(m, fidx)

    x3 = xi[B_SC:].transpose(1, 0)[:, None, :]
    out_tc = _tc_onehot_sum(x3, m3, B - B_SC)

    return jnp.concatenate([out_sc, out_tc], axis=0)

# --- scband reference (transcript-rebuilt; emitter-appended) ---
"""Pipeline reference for scband-my-encoder-61143154425945 (READ-ONLY COPY).

The authoritative reference and input builder live on the scoring server;
editing this copy changes nothing except your own understanding.
"""

import jax, jax.numpy as jnp
import numpy as np

VOCAB = 148
INPUT_SIZE = 50
EMBED_DIM = 128
OUT_FEATURES = 128

def setup_inputs(seed: int = 0) -> dict:
    key = jax.random.key(seed)
    k1, k2, k3, k4 = jax.random.split(key, 4)
    x = jax.random.randint(k1, (4096, INPUT_SIZE), 0, VOCAB, dtype=jnp.int64) if jax.config.jax_enable_x64 else jax.random.randint(k1, (4096, INPUT_SIZE), 0, VOCAB, dtype=jnp.int32)
    table = jax.random.normal(k2, (VOCAB, EMBED_DIM), dtype=jnp.float32) * 0.02
    W = jax.random.normal(k3, (INPUT_SIZE * EMBED_DIM, OUT_FEATURES), dtype=jnp.float32) * (1.0 / np.sqrt(INPUT_SIZE * EMBED_DIM))
    b = jnp.zeros((OUT_FEATURES,), dtype=jnp.float32)
    return {"x": x, "table": table, "W": W, "b": b}

def reference(x, table, W, b):
    # embedding lookup: gather rows of the table
    emb = jnp.take(table, x, axis=0)           # [B, input_size, embed_dim]
    flat = emb.reshape(emb.shape[0], -1)        # flatten trailing dims -> [B, input_size*embed_dim]
    out = flat @ W + b                          # linear layer
    return out

if __name__ == "__main__":
    import jax
    _d = setup_inputs()
    print(jax.jit(kernel)(*tuple(_d.values())))

</pallas_src>

<mosaic_0001>
#map = affine_map<(d0, d1) -> (0, 0)>
module attributes {stable_mosaic.version = 14 : i64} {
  func.func @_sc_gather_sum(%arg0: i32, %arg1: i32, %arg2: memref<8000x128xf32, #tpu.memory_space<hbm>>, %arg3: memref<32x2800xi32, #tpu.memory_space<hbm>>, %arg4: memref<1792x128xf32, #tpu.memory_space<hbm>>, %arg5: memref<2800xi32, #tpu.memory_space<vmem>>, %arg6: memref<112x128xf32, #tpu.memory_space<vmem>>, %arg7: memref<112x128xf32, #tpu.memory_space<vmem>>, %arg8: memref<56x128xf32, #tpu.memory_space<vmem>>, %arg9: memref<!tpu.dma_semaphore, #tpu.memory_space<semaphore_mem>>, %arg10: memref<!tpu.dma_semaphore, #tpu.memory_space<semaphore_mem>>) attributes {dimension_semantics = [#tpu.dimension_semantics<core_parallel>, #tpu.dimension_semantics<subcore_parallel>], iteration_bounds = array<i64: 2, 16>, scalar_prefetch = 0 : i64, scratch_operands = 6 : i64, tpu.core_type = #tpu.core_type<sc_vector_subcore>, window_params = [{transform_indices = #map}, {transform_indices = #map}, {transform_indices = #map}]} {
    %mul3A = arith.constant 2 : i32
    %mul3A_0 = arith.muli %arg1, %mul3A : i32
    %add3A = arith.addi %mul3A_0, %arg0 : i32
    "tpu.region"() ({
      %run_scoped3A = tpu.sem_alloc : memref<!tpu.dma_semaphore, #tpu.memory_space<semaphore_mem>>
      %dma_start3A_29 = arith.constant 0 : i32
      %dma_start3A_30 = tpu.memref_slice %arg3[%add3A, %dma_start3A_29] : memref<32x2800xi32, #tpu.memory_space<hbm>> -> memref<1x2800xi32, #tpu.memory_space<hbm>>
      %dma_start3A_31 = tpu.memref_squeeze %dma_start3A_30 : memref<1x2800xi32, #tpu.memory_space<hbm>> -> memref<2800xi32, #tpu.memory_space<hbm>>
      %dma_start3A_32 = arith.constant 0 : i32
      %dma_start3A_33 = tpu.memref_slice %arg3[%add3A, %dma_start3A_32] : memref<32x2800xi32, #tpu.memory_space<hbm>> -> memref<1x2800xi32, #tpu.memory_space<hbm>>
      %dma_start3A_34 = tpu.memref_squeeze %dma_start3A_33 : memref<1x2800xi32, #tpu.memory_space<hbm>> -> memref<2800xi32, #tpu.memory_space<hbm>>
      tpu.enqueue_dma source(%dma_start3A_34 : memref<2800xi32, #tpu.memory_space<hbm>>) target(%arg5 : memref<2800xi32, #tpu.memory_space<vmem>>) target_semaphore(%run_scoped3A : memref<!tpu.dma_semaphore, #tpu.memory_space<semaphore_mem>>)
      %dma_wait3A_35 = arith.constant 0 : i32
      %dma_wait3A_36 = tpu.memref_slice %arg3[%add3A, %dma_wait3A_35] : memref<32x2800xi32, #tpu.memory_space<hbm>> -> memref<1x2800xi32, #tpu.memory_space<hbm>>
      %dma_wait3A_37 = tpu.memref_squeeze %dma_wait3A_36 : memref<1x2800xi32, #tpu.memory_space<hbm>> -> memref<2800xi32, #tpu.memory_space<hbm>>
      %dma_wait3A_38 = arith.constant 0 : i32
      %dma_wait3A_39 = tpu.memref_slice %arg3[%add3A, %dma_wait3A_38] : memref<32x2800xi32, #tpu.memory_space<hbm>> -> memref<1x2800xi32, #tpu.memory_space<hbm>>
      %dma_wait3A_40 = tpu.memref_squeeze %dma_wait3A_39 : memref<1x2800xi32, #tpu.memory_space<hbm>> -> memref<2800xi32, #tpu.memory_space<hbm>>
      tpu.wait_dma2 semaphore(%run_scoped3A : memref<!tpu.dma_semaphore, #tpu.memory_space<semaphore_mem>>) src(%dma_wait3A_40 : memref<2800xi32, #tpu.memory_space<hbm>>) dst(%arg5 : memref<2800xi32, #tpu.memory_space<vmem>>)
      tpu.yield
    }) : () -> ()
    %broadcast_in_dim3A = arith.constant 0.000000e+00 : f32
    %broadcast_in_dim3A_1 = vector.broadcast %broadcast_in_dim3A : f32 to vector<16xf32>
    %scan3A = arith.constant 0 : i32
    %scan3A_2 = arith.constant 0 : i32
    %scan3A_3 = arith.constant 56 : i32
    %scan3A_4 = arith.addi %scan3A_2, %scan3A_3 : i32
    %scan3A_5 = arith.constant 1 : i32
    scf.for %scan3A_29 = %scan3A_2 to %scan3A_4 step %scan3A_5  : i32 {
      %swap3A = arith.index_cast %scan3A_29 : i32 to index
      %swap3A_30 = arith.constant 0 : index
      %swap3A_31 = tpu.vector_load %arg8[%swap3A, %swap3A_30] {strides = array<i32>} : memref<56x128xf32, #tpu.memory_space<vmem>>, vector<1x16xf32>,
      %swap3A_32 = vector.shape_cast %swap3A_31 : vector<1x16xf32> to vector<16xf32>
      %swap3A_33 = vector.shape_cast %broadcast_in_dim3A_1 : vector<16xf32> to vector<1x16xf32>
      tpu.vector_store %arg8[%swap3A, %swap3A_30], %swap3A_33 {strides = array<i32>} : memref<56x128xf32, #tpu.memory_space<vmem>>, vector<1x16xf32>,
      %swap3A_34 = arith.index_cast %scan3A_29 : i32 to index
      %swap3A_35 = arith.constant 16 : index
      %swap3A_36 = tpu.vector_load %arg8[%swap3A_34, %swap3A_35] {strides = array<i32>} : memref<56x128xf32, #tpu.memory_space<vmem>>, vector<1x16xf32>,
      %swap3A_37 = vector.shape_cast %swap3A_36 : vector<1x16xf32> to vector<16xf32>
      %swap3A_38 = vector.shape_cast %broadcast_in_dim3A_1 : vector<16xf32> to vector<1x16xf32>
      tpu.vector_store %arg8[%swap3A_34, %swap3A_35], %swap3A_38 {strides = array<i32>} : memref<56x128xf32, #tpu.memory_space<vmem>>, vector<1x16xf32>,
      %swap3A_39 = arith.index_cast %scan3A_29 : i32 to index
      %swap3A_40 = arith.constant 32 : index
      %swap3A_41 = tpu.vector_load %arg8[%swap3A_39, %swap3A_40] {strides = array<i32>} : memref<56x128xf32, #tpu.memory_space<vmem>>, vector<1x16xf32>,
      %swap3A_42 = vector.shape_cast %swap3A_41 : vector<1x16xf32> to vector<16xf32>
      %swap3A_43 = vector.shape_cast %broadcast_in_dim3A_1 : vector<16xf32> to vector<1x16xf32>
      tpu.vector_store %arg8[%swap3A_39, %swap3A_40], %swap3A_43 {strides = array<i32>} : memref<56x128xf32, #tpu.memory_space<vmem>>, vector<1x16xf32>,
      %swap3A_44 = arith.index_cast %scan3A_29 : i32 to index
      %swap3A_45 = arith.constant 48 : index
      %swap3A_46 = tpu.vector_load %arg8[%swap3A_44, %swap3A_45] {strides = array<i32>} : memref<56x128xf32, #tpu.memory_space<vmem>>, vector<1x16xf32>,
      %swap3A_47 = vector.shape_cast %swap3A_46 : vector<1x16xf32> to vector<16xf32>
      %swap3A_48 = vector.shape_cast %broadcast_in_dim3A_1 : vector<16xf32> to vector<1x16xf32>
      tpu.vector_store %arg8[%swap3A_44, %swap3A_45], %swap3A_48 {strides = array<i32>} : memref<56x128xf32, #tpu.memory_space<vmem>>, vector<1x16xf32>,
      %swap3A_49 = arith.index_cast %scan3A_29 : i32 to index
      %swap3A_50 = arith.constant 64 : index
      %swap3A_51 = tpu.vector_load %arg8[%swap3A_49, %swap3A_50] {strides = array<i32>} : memref<56x128xf32, #tpu.memory_space<vmem>>, vector<1x16xf32>,
      %swap3A_52 = vector.shape_cast %swap3A_51 : vector<1x16xf32> to vector<16xf32>
      %swap3A_53 = vector.shape_cast %broadcast_in_dim3A_1 : vector<16xf32> to vector<1x16xf32>
      tpu.vector_store %arg8[%swap3A_49, %swap3A_50], %swap3A_53 {strides = array<i32>} : memref<56x128xf32, #tpu.memory_space<vmem>>, vector<1x16xf32>,
      %swap3A_54 = arith.index_cast %scan3A_29 : i32 to index
      %swap3A_55 = arith.constant 80 : index
      %swap3A_56 = tpu.vector_load %arg8[%swap3A_54, %swap3A_55] {strides = array<i32>} : memref<56x128xf32, #tpu.memory_space<vmem>>, vector<1x16xf32>,
      %swap3A_57 = vector.shape_cast %swap3A_56 : vector<1x16xf32> to vector<16xf32>
      %swap3A_58 = vector.shape_cast %broadcast_in_dim3A_1 : vector<16xf32> to vector<1x16xf32>
      tpu.vector_store %arg8[%swap3A_54, %swap3A_55], %swap3A_58 {strides = array<i32>} : memref<56x128xf32, #tpu.memory_space<vmem>>, vector<1x16xf32>,
      %swap3A_59 = arith.index_cast %scan3A_29 : i32 to index
      %swap3A_60 = arith.constant 96 : index
      %swap3A_61 = tpu.vector_load %arg8[%swap3A_59, %swap3A_60] {strides = array<i32>} : memref<56x128xf32, #tpu.memory_space<vmem>>, vector<1x16xf32>,
      %swap3A_62 = vector.shape_cast %swap3A_61 : vector<1x16xf32> to vector<16xf32>
      %swap3A_63 = vector.shape_cast %broadcast_in_dim3A_1 : vector<16xf32> to vector<1x16xf32>
      tpu.vector_store %arg8[%swap3A_59, %swap3A_60], %swap3A_63 {strides = array<i32>} : memref<56x128xf32, #tpu.memory_space<vmem>>, vector<1x16xf32>,
      %swap3A_64 = arith.index_cast %scan3A_29 : i32 to index
      %swap3A_65 = arith.constant 112 : index
      %swap3A_66 = tpu.vector_load %arg8[%swap3A_64, %swap3A_65] {strides = array<i32>} : memref<56x128xf32, #tpu.memory_space<vmem>>, vector<1x16xf32>,
      %swap3A_67 = vector.shape_cast %swap3A_66 : vector<1x16xf32> to vector<16xf32>
      %swap3A_68 = vector.shape_cast %broadcast_in_dim3A_1 : vector<16xf32> to vector<1x16xf32>
      tpu.vector_store %arg8[%swap3A_64, %swap3A_65], %swap3A_68 {strides = array<i32>} : memref<56x128xf32, #tpu.memory_space<vmem>>, vector<1x16xf32>,
    }
    %scan3A_6 = arith.constant 56 : i32
    %dma_start3A = arith.constant 0 : i32
    %dma_start3A_7 = tpu.memref_slice %arg5[%dma_start3A] : memref<2800xi32, #tpu.memory_space<vmem>> -> memref<112xi32, #tpu.memory_space<vmem>>
    %dma_start3A_8 = arith.constant 0 : i32
    %dma_start3A_9 = arith.constant 0 : i32
    %dma_start3A_10 = tpu.memref_slice %arg2[%dma_start3A_8, %dma_start3A_9] : memref<8000x128xf32, #tpu.memory_space<hbm>> -> memref<8000x128xf32, #tpu.memory_space<hbm>>
    tpu.enqueue_indirect_dma source(%dma_start3A_10 : memref<8000x128xf32, #tpu.memory_space<hbm>>) target(%arg6 : memref<112x128xf32, #tpu.memory_space<vmem>>) offsets(%dma_start3A_7 : memref<112xi32, #tpu.memory_space<vmem>>) semaphore(%arg9 : memref<!tpu.dma_semaphore, #tpu.memory_space<semaphore_mem>>)
    %scan3A_11 = arith.constant 0 : i32
    %scan3A_12 = arith.constant 0 : i32
    %scan3A_13 = arith.constant 12 : i32
    %scan3A_14 = arith.addi %scan3A_12, %scan3A_13 : i32
    %scan3A_15 = arith.constant 1 : i32
    scf.for %scan3A_29 = %scan3A_12 to %scan3A_14 step %scan3A_15  : i32 {
      %mul3A_30 = arith.constant 2 : i32
      %mul3A_31 = arith.muli %mul3A_30, %scan3A_29 : i32
      %mul3A_32 = arith.constant 112 : i32
      %mul3A_33 = arith.muli %mul3A_32, %mul3A_31 : i32
      %dma_wait3A_34 = tpu.memref_slice %arg5[%mul3A_33] : memref<2800xi32, #tpu.memory_space<vmem>> -> memref<112xi32, #tpu.memory_space<vmem>>
      %dma_wait3A_35 = arith.constant 0 : i32
      %dma_wait3A_36 = arith.constant 0 : i32
      %dma_wait3A_37 = tpu.memref_slice %arg2[%dma_wait3A_35, %dma_wait3A_36] : memref<8000x128xf32, #tpu.memory_space<hbm>> -> memref<8000x128xf32, #tpu.memory_space<hbm>>
      tpu.wait_indirect_dma semaphore(%arg9 : memref<!tpu.dma_semaphore, #tpu.memory_space<semaphore_mem>>) src(%dma_wait3A_37 : memref<8000x128xf32, #tpu.memory_space<hbm>>) dst(%arg6 : memref<112x128xf32, #tpu.memory_space<vmem>>)
      %add3A_38 = arith.constant 1 : i32
      %add3A_39 = arith.addi %mul3A_31, %add3A_38 : i32
      %mul3A_40 = arith.constant 112 : i32
      %mul3A_41 = arith.muli %mul3A_40, %add3A_39 : i32
      %dma_start3A_42 = tpu.memref_slice %arg5[%mul3A_41] : memref<2800xi32, #tpu.memory_space<vmem>> -> memref<112xi32, #tpu.memory_space<vmem>>
      %dma_start3A_43 = arith.constant 0 : i32
      %dma_start3A_44 = arith.constant 0 : i32
      %dma_start3A_45 = tpu.memref_slice %arg2[%dma_start3A_43, %dma_start3A_44] : memref<8000x128xf32, #tpu.memory_space<hbm>> -> memref<8000x128xf32, #tpu.memory_space<hbm>>
      tpu.enqueue_indirect_dma source(%dma_start3A_45 : memref<8000x128xf32, #tpu.memory_space<hbm>>) target(%arg7 : memref<112x128xf32, #tpu.memory_space<vmem>>) offsets(%dma_start3A_42 : memref<112xi32, #tpu.memory_space<vmem>>) semaphore(%arg10 : memref<!tpu.dma_semaphore, #tpu.memory_space<semaphore_mem>>)
      %scan3A_46 = arith.constant 0 : i32
      %scan3A_47 = arith.constant 0 : i32
      %scan3A_48 = arith.constant 56 : i32
      %scan3A_49 = arith.addi %scan3A_47, %scan3A_48 : i32
      %scan3A_50 = arith.constant 1 : i32
      scf.for %scan3A_74 = %scan3A_47 to %scan3A_49 step %scan3A_50  : i32 {
        %get3A = arith.index_cast %scan3A_74 : i32 to index
        %get3A_75 = arith.constant 0 : index
        %get3A_76 = tpu.vector_load %arg6[%get3A, %get3A_75] {strides = array<i32>} : memref<112x128xf32, #tpu.memory_space<vmem>>, vector<1x16xf32>,
        %get3A_77 = vector.shape_cast %get3A_76 : vector<1x16xf32> to vector<16xf32>
        %add3A_78 = arith.constant 56 : i32
        %add3A_79 = arith.addi %add3A_78, %scan3A_74 : i32
        %get3A_80 = arith.index_cast %add3A_79 : i32 to index
        %get3A_81 = arith.constant 0 : index
        %get3A_82 = tpu.vector_load %arg6[%get3A_80, %get3A_81] {strides = array<i32>} : memref<112x128xf32, #tpu.memory_space<vmem>>, vector<1x16xf32>,
        %get3A_83 = vector.shape_cast %get3A_82 : vector<1x16xf32> to vector<16xf32>
        %add3A_84 = arith.addf %get3A_77, %get3A_83 : vector<16xf32>
        %swap3A = arith.index_cast %scan3A_74 : i32 to index
        %swap3A_85 = arith.constant 0 : index
        %swap3A_86 = tpu.vector_load %arg8[%swap3A, %swap3A_85] {strides = array<i32>} : memref<56x128xf32, #tpu.memory_space<vmem>>, vector<1x16xf32>,
        %swap3A_87 = vector.shape_cast %swap3A_86 : vector<1x16xf32> to vector<16xf32>
        %swap3A_88 = vector.shape_cast %add3A_84 : vector<16xf32> to vector<1x16xf32>
        tpu.vector_store %arg8[%swap3A, %swap3A_85], %swap3A_88 {add = true, strides = array<i32>} : memref<56x128xf32, #tpu.memory_space<vmem>>, vector<1x16xf32>,
        %get3A_89 = arith.index_cast %scan3A_74 : i32 to index
        %get3A_90 = arith.constant 16 : index
        %get3A_91 = tpu.vector_load %arg6[%get3A_89, %get3A_90] {strides = array<i32>} : memref<112x128xf32, #tpu.memory_space<vmem>>, vector<1x16xf32>,
        %get3A_92 = vector.shape_cast %get3A_91 : vector<1x16xf32> to vector<16xf32>
        %add3A_93 = arith.constant 56 : i32
        %add3A_94 = arith.addi %add3A_93, %scan3A_74 : i32
        %get3A_95 = arith.index_cast %add3A_94 : i32 to index
        %get3A_96 = arith.constant 16 : index
        %get3A_97 = tpu.vector_load %arg6[%get3A_95, %get3A_96] {strides = array<i32>} : memref<112x128xf32, #tpu.memory_space<vmem>>, vector<1x16xf32>,
        %get3A_98 = vector.shape_cast %get3A_97 : vector<1x16xf32> to vector<16xf32>
        %add3A_99 = arith.addf %get3A_92, %get3A_98 : vector<16xf32>
        %swap3A_100 = arith.index_cast %scan3A_74 : i32 to index
        %swap3A_101 = arith.constant 16 : index
        %swap3A_102 = tpu.vector_load %arg8[%swap3A_100, %swap3A_101] {strides = array<i32>} : memref<56x128xf32, #tpu.memory_space<vmem>>, vector<1x16xf32>,
        %swap3A_103 = vector.shape_cast %swap3A_102 : vector<1x16xf32> to vector<16xf32>
        %swap3A_104 = vector.shape_cast %add3A_99 : vector<16xf32> to vector<1x16xf32>
        tpu.vector_store %arg8[%swap3A_100, %swap3A_101], %swap3A_104 {add = true, strides = array<i32>} : memref<56x128xf32, #tpu.memory_space<vmem>>, vector<1x16xf32>,
        %get3A_105 = arith.index_cast %scan3A_74 : i32 to index
        %get3A_106 = arith.constant 32 : index
        %get3A_107 = tpu.vector_load %arg6[%get3A_105, %get3A_106] {strides = array<i32>} : memref<112x128xf32, #tpu.memory_space<vmem>>, vector<1x16xf32>,
        %get3A_108 = vector.shape_cast %get3A_107 : vector<1x16xf32> to vector<16xf32>
        %add3A_109 = arith.constant 56 : i32
        %add3A_110 = arith.addi %add3A_109, %scan3A_74 : i32
        %get3A_111 = arith.index_cast %add3A_110 : i32 to index
        %get3A_112 = arith.constant 32 : index
        %get3A_113 = tpu.vector_load %arg6[%get3A_111, %get3A_112] {strides = array<i32>} : memref<112x128xf32, #tpu.memory_space<vmem>>, vector<1x16xf32>,
        %get3A_114 = vector.shape_cast %get3A_113 : vector<1x16xf32> to vector<16xf32>
        %add3A_115 = arith.addf %get3A_108, %get3A_114 : vector<16xf32>
        %swap3A_116 = arith.index_cast %scan3A_74 : i32 to index
        %swap3A_117 = arith.constant 32 : index
        %swap3A_118 = tpu.vector_load %arg8[%swap3A_116, %swap3A_117] {strides = array<i32>} : memref<56x128xf32, #tpu.memory_space<vmem>>, vector<1x16xf32>,
        %swap3A_119 = vector.shape_cast %swap3A_118 : vector<1x16xf32> to vector<16xf32>
        %swap3A_120 = vector.shape_cast %add3A_115 : vector<16xf32> to vector<1x16xf32>
        tpu.vector_store %arg8[%swap3A_116, %swap3A_117], %swap3A_120 {add = true, strides = array<i32>} : memref<56x128xf32, #tpu.memory_space<vmem>>, vector<1x16xf32>,
        %get3A_121 = arith.index_cast %scan3A_74 : i32 to index
        %get3A_122 = arith.constant 48 : index
        %get3A_123 = tpu.vector_load %arg6[%get3A_121, %get3A_122] {strides = array<i32>} : memref<112x128xf32, #tpu.memory_space<vmem>>, vector<1x16xf32>,
        %get3A_124 = vector.shape_cast %get3A_123 : vector<1x16xf32> to vector<16xf32>
        %add3A_125 = arith.constant 56 : i32
        %add3A_126 = arith.addi %add3A_125, %scan3A_74 : i32
        %get3A_127 = arith.index_cast %add3A_126 : i32 to index
        %get3A_128 = arith.constant 48 : index
        %get3A_129 = tpu.vector_load %arg6[%get3A_127, %get3A_128] {strides = array<i32>} : memref<112x128xf32, #tpu.memory_space<vmem>>, vector<1x16xf32>,
        %get3A_130 = vector.shape_cast %get3A_129 : vector<1x16xf32> to vector<16xf32>
        %add3A_131 = arith.addf %get3A_124, %get3A_130 : vector<16xf32>
        %swap3A_132 = arith.index_cast %scan3A_74 : i32 to index
        %swap3A_133 = arith.constant 48 : index
        %swap3A_134 = tpu.vector_load %arg8[%swap3A_132, %swap3A_133] {strides = array<i32>} : memref<56x128xf32, #tpu.memory_space<vmem>>, vector<1x16xf32>,
        %swap3A_135 = vector.shape_cast %swap3A_134 : vector<1x16xf32> to vector<16xf32>
        %swap3A_136 = vector.shape_cast %add3A_131 : vector<16xf32> to vector<1x16xf32>
        tpu.vector_store %arg8[%swap3A_132, %swap3A_133], %swap3A_136 {add = true, strides = array<i32>} : memref<56x128xf32, #tpu.memory_space<vmem>>, vector<1x16xf32>,
        %get3A_137 = arith.index_cast %scan3A_74 : i32 to index
        %get3A_138 = arith.constant 64 : index
        %get3A_139 = tpu.vector_load %arg6[%get3A_137, %get3A_138] {strides = array<i32>} : memref<112x128xf32, #tpu.memory_space<vmem>>, vector<1x16xf32>,
        %get3A_140 = vector.shape_cast %get3A_139 : vector<1x16xf32> to vector<16xf32>
        %add3A_141 = arith.constant 56 : i32
        %add3A_142 = arith.addi %add3A_141, %scan3A_74 : i32
        %get3A_143 = arith.index_cast %add3A_142 : i32 to index
        %get3A_144 = arith.constant 64 : index
        %get3A_145 = tpu.vector_load %arg6[%get3A_143, %get3A_144] {strides = array<i32>} : memref<112x128xf32, #tpu.memory_space<vmem>>, vector<1x16xf32>,
        %get3A_146 = vector.shape_cast %get3A_145 : vector<1x16xf32> to vector<16xf32>
        %add3A_147 = arith.addf %get3A_140, %get3A_146 : vector<16xf32>
        %swap3A_148 = arith.index_cast %scan3A_74 : i32 to index
        %swap3A_149 = arith.constant 64 : index
        %swap3A_150 = tpu.vector_load %arg8[%swap3A_148, %swap3A_149] {strides = array<i32>} : memref<56x128xf32, #tpu.memory_space<vmem>>, vector<1x16xf32>,
        %swap3A_151 = vector.shape_cast %swap3A_150 : vector<1x16xf32> to vector<16xf32>
        %swap3A_152 = vector.shape_cast %add3A_147 : vector<16xf32> to vector<1x16xf32>
        tpu.vector_store %arg8[%swap3A_148, %swap3A_149], %swap3A_152 {add = true, strides = array<i32>} : memref<56x128xf32, #tpu.memory_space<vmem>>, vector<1x16xf32>,
        %get3A_153 = arith.index_cast %scan3A_74 : i32 to index
        %get3A_154 = arith.constant 80 : index
        %get3A_155 = tpu.vector_load %arg6[%get3A_153, %get3A_154] {strides = array<i32>} : memref<112x128xf32, #tpu.memory_space<vmem>>, vector<1x16xf32>,
        %get3A_156 = vector.shape_cast %get3A_155 : vector<1x16xf32> to vector<16xf32>
        %add3A_157 = arith.constant 56 : i32
        %add3A_158 = arith.addi %add3A_157, %scan3A_74 : i32
        %get3A_159 = arith.index_cast %add3A_158 : i32 to index
        %get3A_160 = arith.constant 80 : index
        %get3A_161 = tpu.vector_load %arg6[%get3A_159, %get3A_160] {strides = array<i32>} : memref<112x128xf32, #tpu.memory_space<vmem>>, vector<1x16xf32>,
        %get3A_162 = vector.shape_cast %get3A_161 : vector<1x16xf32> to vector<16xf32>
        %add3A_163 = arith.addf %get3A_156, %get3A_162 : vector<16xf32>
        %swap3A_164 = arith.index_cast %scan3A_74 : i32 to index
        %swap3A_165 = arith.constant 80 : index
        %swap3A_166 = tpu.vector_load %arg8[%swap3A_164, %swap3A_165] {strides = array<i32>} : memref<56x128xf32, #tpu.memory_space<vmem>>, vector<1x16xf32>,
        %swap3A_167 = vector.shape_cast %swap3A_166 : vector<1x16xf32> to vector<16xf32>
        %swap3A_168 = vector.shape_cast %add3A_163 : vector<16xf32> to vector<1x16xf32>
        tpu.vector_store %arg8[%swap3A_164, %swap3A_165], %swap3A_168 {add = true, strides = array<i32>} : memref<56x128xf32, #tpu.memory_space<vmem>>, vector<1x16xf32>,
        %get3A_169 = arith.index_cast %scan3A_74 : i32 to index
        %get3A_170 = arith.constant 96 : index
        %get3A_171 = tpu.vector_load %arg6[%get3A_169, %get3A_170] {strides = array<i32>} : memref<112x128xf32, #tpu.memory_space<vmem>>, vector<1x16xf32>,
        %get3A_172 = vector.shape_cast %get3A_171 : vector<1x16xf32> to vector<16xf32>
        %add3A_173 = arith.constant 56 : i32
        %add3A_174 = arith.addi %add3A_173, %scan3A_74 : i32
        %get3A_175 = arith.index_cast %add3A_174 : i32 to index
        %get3A_176 = arith.constant 96 : index
        %get3A_177 = tpu.vector_load %arg6[%get3A_175, %get3A_176] {strides = array<i32>} : memref<112x128xf32, #tpu.memory_space<vmem>>, vector<1x16xf32>,
        %get3A_178 = vector.shape_cast %get3A_177 : vector<1x16xf32> to vector<16xf32>
        %add3A_179 = arith.addf %get3A_172, %get3A_178 : vector<16xf32>
        %swap3A_180 = arith.index_cast %scan3A_74 : i32 to index
        %swap3A_181 = arith.constant 96 : index
        %swap3A_182 = tpu.vector_load %arg8[%swap3A_180, %swap3A_181] {strides = array<i32>} : memref<56x128xf32, #tpu.memory_space<vmem>>, vector<1x16xf32>,
        %swap3A_183 = vector.shape_cast %swap3A_182 : vector<1x16xf32> to vector<16xf32>
        %swap3A_184 = vector.shape_cast %add3A_179 : vector<16xf32> to vector<1x16xf32>
        tpu.vector_store %arg8[%swap3A_180, %swap3A_181], %swap3A_184 {add = true, strides = array<i32>} : memref<56x128xf32, #tpu.memory_space<vmem>>, vector<1x16xf32>,
        %get3A_185 = arith.index_cast %scan3A_74 : i32 to index
        %get3A_186 = arith.constant 112 : index
        %get3A_187 = tpu.vector_load %arg6[%get3A_185, %get3A_186] {strides = array<i32>} : memref<112x128xf32, #tpu.memory_space<vmem>>, vector<1x16xf32>,
        %get3A_188 = vector.shape_cast %get3A_187 : vector<1x16xf32> to vector<16xf32>
        %add3A_189 = arith.constant 56 : i32
        %add3A_190 = arith.addi %add3A_189, %scan3A_74 : i32
        %get3A_191 = arith.index_cast %add3A_190 : i32 to index
        %get3A_192 = arith.constant 112 : index
        %get3A_193 = tpu.vector_load %arg6[%get3A_191, %get3A_192] {strides = array<i32>} : memref<112x128xf32, #tpu.memory_space<vmem>>, vector<1x16xf32>,
        %get3A_194 = vector.shape_cast %get3A_193 : vector<1x16xf32> to vector<16xf32>
        %add3A_195 = arith.addf %get3A_188, %get3A_194 : vector<16xf32>
        %swap3A_196 = arith.index_cast %scan3A_74 : i32 to index
        %swap3A_197 = arith.constant 112 : index
        %swap3A_198 = tpu.vector_load %arg8[%swap3A_196, %swap3A_197] {strides = array<i32>} : memref<56x128xf32, #tpu.memory_space<vmem>>, vector<1x16xf32>,
        %swap3A_199 = vector.shape_cast %swap3A_198 : vector<1x16xf32> to vector<16xf32>
        %swap3A_200 = vector.shape_cast %add3A_195 : vector<16xf32> to vector<1x16xf32>
        tpu.vector_store %arg8[%swap3A_196, %swap3A_197], %swap3A_200 {add = true, strides = array<i32>} : memref<56x128xf32, #tpu.memory_space<vmem>>, vector<1x16xf32>,
      }
      %scan3A_51 = arith.constant 56 : i32
      %add3A_52 = arith.constant 1 : i32
      %add3A_53 = arith.addi %mul3A_31, %add3A_52 : i32
      %mul3A_54 = arith.constant 112 : i32
      %mul3A_55 = arith.muli %mul3A_54, %add3A_53 : i32
      %dma_wait3A_56 = tpu.memref_slice %arg5[%mul3A_55] : memref<2800xi32, #tpu.memory_space<vmem>> -> memref<112xi32, #tpu.memory_space<vmem>>
      %dma_wait3A_57 = arith.constant 0 : i32
      %dma_wait3A_58 = arith.constant 0 : i32
      %dma_wait3A_59 = tpu.memref_slice %arg2[%dma_wait3A_57, %dma_wait3A_58] : memref<8000x128xf32, #tpu.memory_space<hbm>> -> memref<8000x128xf32, #tpu.memory_space<hbm>>
      tpu.wait_indirect_dma semaphore(%arg10 : memref<!tpu.dma_semaphore, #tpu.memory_space<semaphore_mem>>) src(%dma_wait3A_59 : memref<8000x128xf32, #tpu.memory_space<hbm>>) dst(%arg7 : memref<112x128xf32, #tpu.memory_space<vmem>>)
      %add3A_60 = arith.constant 2 : i32
      %add3A_61 = arith.addi %mul3A_31, %add3A_60 : i32
      %mul3A_62 = arith.constant 112 : i32
      %mul3A_63 = arith.muli %mul3A_62, %add3A_61 : i32
      %dma_start3A_64 = tpu.memref_slice %arg5[%mul3A_63] : memref<2800xi32, #tpu.memory_space<vmem>> -> memref<112xi32, #tpu.memory_space<vmem>>
      %dma_start3A_65 = arith.constant 0 : i32
      %dma_start3A_66 = arith.constant 0 : i32
      %dma_start3A_67 = tpu.memref_slice %arg2[%dma_start3A_65, %dma_start3A_66] : memref<8000x128xf32, #tpu.memory_space<hbm>> -> memref<8000x128xf32, #tpu.memory_space<hbm>>
      tpu.enqueue_indirect_dma source(%dma_start3A_67 : memref<8000x128xf32, #tpu.memory_space<hbm>>) target(%arg6 : memref<112x128xf32, #tpu.memory_space<vmem>>) offsets(%dma_start3A_64 : memref<112xi32, #tpu.memory_space<vmem>>) semaphore(%arg9 : memref<!tpu.dma_semaphore, #tpu.memory_space<semaphore_mem>>)
      %scan3A_68 = arith.constant 0 : i32
      %scan3A_69 = arith.constant 0 : i32
      %scan3A_70 = arith.constant 56 : i32
      %scan3A_71 = arith.addi %scan3A_69, %scan3A_70 : i32
      %scan3A_72 = arith.constant 1 : i32
      scf.for %scan3A_74 = %scan3A_69 to %scan3A_71 step %scan3A_72  : i32 {
        %get3A = arith.index_cast %scan3A_74 : i32 to index
        %get3A_75 = arith.constant 0 : index
        %get3A_76 = tpu.vector_load %arg7[%get3A, %get3A_75] {strides = array<i32>} : memref<112x128xf32, #tpu.memory_space<vmem>>, vector<1x16xf32>,
        %get3A_77 = vector.shape_cast %get3A_76 : vector<1x16xf32> to vector<16xf32>
        %add3A_78 = arith.constant 56 : i32
        %add3A_79 = arith.addi %add3A_78, %scan3A_74 : i32
        %get3A_80 = arith.index_cast %add3A_79 : i32 to index
        %get3A_81 = arith.constant 0 : index
        %get3A_82 = tpu.vector_load %arg7[%get3A_80, %get3A_81] {strides = array<i32>} : memref<112x128xf32, #tpu.memory_space<vmem>>, vector<1x16xf32>,
        %get3A_83 = vector.shape_cast %get3A_82 : vector<1x16xf32> to vector<16xf32>
        %add3A_84 = arith.addf %get3A_77, %get3A_83 : vector<16xf32>
        %swap3A = arith.index_cast %scan3A_74 : i32 to index
        %swap3A_85 = arith.constant 0 : index
        %swap3A_86 = tpu.vector_load %arg8[%swap3A, %swap3A_85] {strides = array<i32>} : memref<56x128xf32, #tpu.memory_space<vmem>>, vector<1x16xf32>,
        %swap3A_87 = vector.shape_cast %swap3A_86 : vector<1x16xf32> to vector<16xf32>
        %swap3A_88 = vector.shape_cast %add3A_84 : vector<16xf32> to vector<1x16xf32>
        tpu.vector_store %arg8[%swap3A, %swap3A_85], %swap3A_88 {add = true, strides = array<i32>} : memref<56x128xf32, #tpu.memory_space<vmem>>, vector<1x16xf32>,
        %get3A_89 = arith.index_cast %scan3A_74 : i32 to index
        %get3A_90 = arith.constant 16 : index
        %get3A_91 = tpu.vector_load %arg7[%get3A_89, %get3A_90] {strides = array<i32>} : memref<112x128xf32, #tpu.memory_space<vmem>>, vector<1x16xf32>,
        %get3A_92 = vector.shape_cast %get3A_91 : vector<1x16xf32> to vector<16xf32>
        %add3A_93 = arith.constant 56 : i32
        %add3A_94 = arith.addi %add3A_93, %scan3A_74 : i32
        %get3A_95 = arith.index_cast %add3A_94 : i32 to index
        %get3A_96 = arith.constant 16 : index
        %get3A_97 = tpu.vector_load %arg7[%get3A_95, %get3A_96] {strides = array<i32>} : memref<112x128xf32, #tpu.memory_space<vmem>>, vector<1x16xf32>,
        %get3A_98 = vector.shape_cast %get3A_97 : vector<1x16xf32> to vector<16xf32>
        %add3A_99 = arith.addf %get3A_92, %get3A_98 : vector<16xf32>
        %swap3A_100 = arith.index_cast %scan3A_74 : i32 to index
        %swap3A_101 = arith.constant 16 : index
        %swap3A_102 = tpu.vector_load %arg8[%swap3A_100, %swap3A_101] {strides = array<i32>} : memref<56x128xf32, #tpu.memory_space<vmem>>, vector<1x16xf32>,
        %swap3A_103 = vector.shape_cast %swap3A_102 : vector<1x16xf32> to vector<16xf32>
        %swap3A_104 = vector.shape_cast %add3A_99 : vector<16xf32> to vector<1x16xf32>
        tpu.vector_store %arg8[%swap3A_100, %swap3A_101], %swap3A_104 {add = true, strides = array<i32>} : memref<56x128xf32, #tpu.memory_space<vmem>>, vector<1x16xf32>,
        %get3A_105 = arith.index_cast %scan3A_74 : i32 to index
        %get3A_106 = arith.constant 32 : index
        %get3A_107 = tpu.vector_load %arg7[%get3A_105, %get3A_106] {strides = array<i32>} : memref<112x128xf32, #tpu.memory_space<vmem>>, vector<1x16xf32>,
        %get3A_108 = vector.shape_cast %get3A_107 : vector<1x16xf32> to vector<16xf32>
        %add3A_109 = arith.constant 56 : i32
        %add3A_110 = arith.addi %add3A_109, %scan3A_74 : i32
        %get3A_111 = arith.index_cast %add3A_110 : i32 to index
        %get3A_112 = arith.constant 32 : index
        %get3A_113 = tpu.vector_load %arg7[%get3A_111, %get3A_112] {strides = array<i32>} : memref<112x128xf32, #tpu.memory_space<vmem>>, vector<1x16xf32>,
        %get3A_114 = vector.shape_cast %get3A_113 : vector<1x16xf32> to vector<16xf32>
        %add3A_115 = arith.addf %get3A_108, %get3A_114 : vector<16xf32>
        %swap3A_116 = arith.index_cast %scan3A_74 : i32 to index
        %swap3A_117 = arith.constant 32 : index
        %swap3A_118 = tpu.vector_load %arg8[%swap3A_116, %swap3A_117] {strides = array<i32>} : memref<56x128xf32, #tpu.memory_space<vmem>>, vector<1x16xf32>,
        %swap3A_119 = vector.shape_cast %swap3A_118 : vector<1x16xf32> to vector<16xf32>
        %swap3A_120 = vector.shape_cast %add3A_115 : vector<16xf32> to vector<1x16xf32>
        tpu.vector_store %arg8[%swap3A_116, %swap3A_117], %swap3A_120 {add = true, strides = array<i32>} : memref<56x128xf32, #tpu.memory_space<vmem>>, vector<1x16xf32>,
        %get3A_121 = arith.index_cast %scan3A_74 : i32 to index
        %get3A_122 = arith.constant 48 : index
        %get3A_123 = tpu.vector_load %arg7[%get3A_121, %get3A_122] {strides = array<i32>} : memref<112x128xf32, #tpu.memory_space<vmem>>, vector<1x16xf32>,
        %get3A_124 = vector.shape_cast %get3A_123 : vector<1x16xf32> to vector<16xf32>
        %add3A_125 = arith.constant 56 : i32
        %add3A_126 = arith.addi %add3A_125, %scan3A_74 : i32
        %get3A_127 = arith.index_cast %add3A_126 : i32 to index
        %get3A_128 = arith.constant 48 : index
        %get3A_129 = tpu.vector_load %arg7[%get3A_127, %get3A_128] {strides = array<i32>} : memref<112x128xf32, #tpu.memory_space<vmem>>, vector<1x16xf32>,
        %get3A_130 = vector.shape_cast %get3A_129 : vector<1x16xf32> to vector<16xf32>
        %add3A_131 = arith.addf %get3A_124, %get3A_130 : vector<16xf32>
        %swap3A_132 = arith.index_cast %scan3A_74 : i32 to index
        %swap3A_133 = arith.constant 48 : index
        %swap3A_134 = tpu.vector_load %arg8[%swap3A_132, %swap3A_133] {strides = array<i32>} : memref<56x128xf32, #tpu.memory_space<vmem>>, vector<1x16xf32>,
        %swap3A_135 = vector.shape_cast %swap3A_134 : vector<1x16xf32> to vector<16xf32>
        %swap3A_136 = vector.shape_cast %add3A_131 : vector<16xf32> to vector<1x16xf32>
        tpu.vector_store %arg8[%swap3A_132, %swap3A_133], %swap3A_136 {add = true, strides = array<i32>} : memref<56x128xf32, #tpu.memory_space<vmem>>, vector<1x16xf32>,
        %get3A_137 = arith.index_cast %scan3A_74 : i32 to index
        %get3A_138 = arith.constant 64 : index
        %get3A_139 = tpu.vector_load %arg7[%get3A_137, %get3A_138] {strides = array<i32>} : memref<112x128xf32, #tpu.memory_space<vmem>>, vector<1x16xf32>,
        %get3A_140 = vector.shape_cast %get3A_139 : vector<1x16xf32> to vector<16xf32>
        %add3A_141 = arith.constant 56 : i32
        %add3A_142 = arith.addi %add3A_141, %scan3A_74 : i32
        %get3A_143 = arith.index_cast %add3A_142 : i32 to index
        %get3A_144 = arith.constant 64 : index
        %get3A_145 = tpu.vector_load %arg7[%get3A_143, %get3A_144] {strides = array<i32>} : memref<112x128xf32, #tpu.memory_space<vmem>>, vector<1x16xf32>,
        %get3A_146 = vector.shape_cast %get3A_145 : vector<1x16xf32> to vector<16xf32>
        %add3A_147 = arith.addf %get3A_140, %get3A_146 : vector<16xf32>
        %swap3A_148 = arith.index_cast %scan3A_74 : i32 to index
        %swap3A_149 = arith.constant 64 : index
        %swap3A_150 = tpu.vector_load %arg8[%swap3A_148, %swap3A_149] {strides = array<i32>} : memref<56x128xf32, #tpu.memory_space<vmem>>, vector<1x16xf32>,
        %swap3A_151 = vector.shape_cast %swap3A_150 : vector<1x16xf32> to vector<16xf32>
        %swap3A_152 = vector.shape_cast %add3A_147 : vector<16xf32> to vector<1x16xf32>
        tpu.vector_store %arg8[%swap3A_148, %swap3A_149], %swap3A_152 {add = true, strides = array<i32>} : memref<56x128xf32, #tpu.memory_space<vmem>>, vector<1x16xf32>,
        %get3A_153 = arith.index_cast %scan3A_74 : i32 to index
        %get3A_154 = arith.constant 80 : index
        %get3A_155 = tpu.vector_load %arg7[%get3A_153, %get3A_154] {strides = array<i32>} : memref<112x128xf32, #tpu.memory_space<vmem>>, vector<1x16xf32>,
        %get3A_156 = vector.shape_cast %get3A_155 : vector<1x16xf32> to vector<16xf32>
        %add3A_157 = arith.constant 56 : i32
        %add3A_158 = arith.addi %add3A_157, %scan3A_74 : i32
        %get3A_159 = arith.index_cast %add3A_158 : i32 to index
        %get3A_160 = arith.constant 80 : index
        %get3A_161 = tpu.vector_load %arg7[%get3A_159, %get3A_160] {strides = array<i32>} : memref<112x128xf32, #tpu.memory_space<vmem>>, vector<1x16xf32>,
        %get3A_162 = vector.shape_cast %get3A_161 : vector<1x16xf32> to vector<16xf32>
        %add3A_163 = arith.addf %get3A_156, %get3A_162 : vector<16xf32>
        %swap3A_164 = arith.index_cast %scan3A_74 : i32 to index
        %swap3A_165 = arith.constant 80 : index
        %swap3A_166 = tpu.vector_load %arg8[%swap3A_164, %swap3A_165] {strides = array<i32>} : memref<56x128xf32, #tpu.memory_space<vmem>>, vector<1x16xf32>,
        %swap3A_167 = vector.shape_cast %swap3A_166 : vector<1x16xf32> to vector<16xf32>
        %swap3A_168 = vector.shape_cast %add3A_163 : vector<16xf32> to vector<1x16xf32>
        tpu.vector_store %arg8[%swap3A_164, %swap3A_165], %swap3A_168 {add = true, strides = array<i32>} : memref<56x128xf32, #tpu.memory_space<vmem>>, vector<1x16xf32>,
        %get3A_169 = arith.index_cast %scan3A_74 : i32 to index
        %get3A_170 = arith.constant 96 : index
        %get3A_171 = tpu.vector_load %arg7[%get3A_169, %get3A_170] {strides = array<i32>} : memref<112x128xf32, #tpu.memory_space<vmem>>, vector<1x16xf32>,
        %get3A_172 = vector.shape_cast %get3A_171 : vector<1x16xf32> to vector<16xf32>
        %add3A_173 = arith.constant 56 : i32
        %add3A_174 = arith.addi %add3A_173, %scan3A_74 : i32
        %get3A_175 = arith.index_cast %add3A_174 : i32 to index
        %get3A_176 = arith.constant 96 : index
        %get3A_177 = tpu.vector_load %arg7[%get3A_175, %get3A_176] {strides = array<i32>} : memref<112x128xf32, #tpu.memory_space<vmem>>, vector<1x16xf32>,
        %get3A_178 = vector.shape_cast %get3A_177 : vector<1x16xf32> to vector<16xf32>
        %add3A_179 = arith.addf %get3A_172, %get3A_178 : vector<16xf32>
        %swap3A_180 = arith.index_cast %scan3A_74 : i32 to index
        %swap3A_181 = arith.constant 96 : index
        %swap3A_182 = tpu.vector_load %arg8[%swap3A_180, %swap3A_181] {strides = array<i32>} : memref<56x128xf32, #tpu.memory_space<vmem>>, vector<1x16xf32>,
        %swap3A_183 = vector.shape_cast %swap3A_182 : vector<1x16xf32> to vector<16xf32>
        %swap3A_184 = vector.shape_cast %add3A_179 : vector<16xf32> to vector<1x16xf32>
        tpu.vector_store %arg8[%swap3A_180, %swap3A_181], %swap3A_184 {add = true, strides = array<i32>} : memref<56x128xf32, #tpu.memory_space<vmem>>, vector<1x16xf32>,
        %get3A_185 = arith.index_cast %scan3A_74 : i32 to index
        %get3A_186 = arith.constant 112 : index
        %get3A_187 = tpu.vector_load %arg7[%get3A_185, %get3A_186] {strides = array<i32>} : memref<112x128xf32, #tpu.memory_space<vmem>>, vector<1x16xf32>,
        %get3A_188 = vector.shape_cast %get3A_187 : vector<1x16xf32> to vector<16xf32>
        %add3A_189 = arith.constant 56 : i32
        %add3A_190 = arith.addi %add3A_189, %scan3A_74 : i32
        %get3A_191 = arith.index_cast %add3A_190 : i32 to index
        %get3A_192 = arith.constant 112 : index
        %get3A_193 = tpu.vector_load %arg7[%get3A_191, %get3A_192] {strides = array<i32>} : memref<112x128xf32, #tpu.memory_space<vmem>>, vector<1x16xf32>,
        %get3A_194 = vector.shape_cast %get3A_193 : vector<1x16xf32> to vector<16xf32>
        %add3A_195 = arith.addf %get3A_188, %get3A_194 : vector<16xf32>
        %swap3A_196 = arith.index_cast %scan3A_74 : i32 to index
        %swap3A_197 = arith.constant 112 : index
        %swap3A_198 = tpu.vector_load %arg8[%swap3A_196, %swap3A_197] {strides = array<i32>} : memref<56x128xf32, #tpu.memory_space<vmem>>, vector<1x16xf32>,
        %swap3A_199 = vector.shape_cast %swap3A_198 : vector<1x16xf32> to vector<16xf32>
        %swap3A_200 = vector.shape_cast %add3A_195 : vector<16xf32> to vector<1x16xf32>
        tpu.vector_store %arg8[%swap3A_196, %swap3A_197], %swap3A_200 {add = true, strides = array<i32>} : memref<56x128xf32, #tpu.memory_space<vmem>>, vector<1x16xf32>,
      }
      %scan3A_73 = arith.constant 56 : i32
    }
    %scan3A_16 = arith.constant 12 : i32
    %dma_wait3A = arith.constant 2688 : i32
    %dma_wait3A_17 = tpu.memref_slice %arg5[%dma_wait3A] : memref<2800xi32, #tpu.memory_space<vmem>> -> memref<112xi32, #tpu.memory_space<vmem>>
    %dma_wait3A_18 = arith.constant 0 : i32
    %dma_wait3A_19 = arith.constant 0 : i32
    %dma_wait3A_20 = tpu.memref_slice %arg2[%dma_wait3A_18, %dma_wait3A_19] : memref<8000x128xf32, #tpu.memory_space<hbm>> -> memref<8000x128xf32, #tpu.memory_space<hbm>>
    tpu.wait_indirect_dma semaphore(%arg9 : memref<!tpu.dma_semaphore, #tpu.memory_space<semaphore_mem>>) src(%dma_wait3A_20 : memref<8000x128xf32, #tpu.memory_space<hbm>>) dst(%arg6 : memref<112x128xf32, #tpu.memory_space<vmem>>)
    %scan3A_21 = arith.constant 0 : i32
    %scan3A_22 = arith.constant 0 : i32
    %scan3A_23 = arith.constant 56 : i32
    %scan3A_24 = arith.addi %scan3A_22, %scan3A_23 : i32
    %scan3A_25 = arith.constant 1 : i32
    scf.for %scan3A_29 = %scan3A_22 to %scan3A_24 step %scan3A_25  : i32 {
      %get3A = arith.index_cast %scan3A_29 : i32 to index
      %get3A_30 = arith.constant 0 : index
      %get3A_31 = tpu.vector_load %arg6[%get3A, %get3A_30] {strides = array<i32>} : memref<112x128xf32, #tpu.memory_space<vmem>>, vector<1x16xf32>,
      %get3A_32 = vector.shape_cast %get3A_31 : vector<1x16xf32> to vector<16xf32>
      %add3A_33 = arith.constant 56 : i32
      %add3A_34 = arith.addi %add3A_33, %scan3A_29 : i32
      %get3A_35 = arith.index_cast %add3A_34 : i32 to index
      %get3A_36 = arith.constant 0 : index
      %get3A_37 = tpu.vector_load %arg6[%get3A_35, %get3A_36] {strides = array<i32>} : memref<112x128xf32, #tpu.memory_space<vmem>>, vector<1x16xf32>,
      %get3A_38 = vector.shape_cast %get3A_37 : vector<1x16xf32> to vector<16xf32>
      %add3A_39 = arith.addf %get3A_32, %get3A_38 : vector<16xf32>
      %swap3A = arith.index_cast %scan3A_29 : i32 to index
      %swap3A_40 = arith.constant 0 : index
      %swap3A_41 = tpu.vector_load %arg8[%swap3A, %swap3A_40] {strides = array<i32>} : memref<56x128xf32, #tpu.memory_space<vmem>>, vector<1x16xf32>,
      %swap3A_42 = vector.shape_cast %swap3A_41 : vector<1x16xf32> to vector<16xf32>
      %swap3A_43 = vector.shape_cast %add3A_39 : vector<16xf32> to vector<1x16xf32>
      tpu.vector_store %arg8[%swap3A, %swap3A_40], %swap3A_43 {add = true, strides = array<i32>} : memref<56x128xf32, #tpu.memory_space<vmem>>, vector<1x16xf32>,
      %get3A_44 = arith.index_cast %scan3A_29 : i32 to index
      %get3A_45 = arith.constant 16 : index
      %get3A_46 = tpu.vector_load %arg6[%get3A_44, %get3A_45] {strides = array<i32>} : memref<112x128xf32, #tpu.memory_space<vmem>>, vector<1x16xf32>,
      %get3A_47 = vector.shape_cast %get3A_46 : vector<1x16xf32> to vector<16xf32>
      %add3A_48 = arith.constant 56 : i32
      %add3A_49 = arith.addi %add3A_48, %scan3A_29 : i32
      %get3A_50 = arith.index_cast %add3A_49 : i32 to index
      %get3A_51 = arith.constant 16 : index
      %get3A_52 = tpu.vector_load %arg6[%get3A_50, %get3A_51] {strides = array<i32>} : memref<112x128xf32, #tpu.memory_space<vmem>>, vector<1x16xf32>,
      %get3A_53 = vector.shape_cast %get3A_52 : vector<1x16xf32> to vector<16xf32>
      %add3A_54 = arith.addf %get3A_47, %get3A_53 : vector<16xf32>
      %swap3A_55 = arith.index_cast %scan3A_29 : i32 to index
      %swap3A_56 = arith.constant 16 : index
      %swap3A_57 = tpu.vector_load %arg8[%swap3A_55, %swap3A_56] {strides = array<i32>} : memref<56x128xf32, #tpu.memory_space<vmem>>, vector<1x16xf32>,
      %swap3A_58 = vector.shape_cast %swap3A_57 : vector<1x16xf32> to vector<16xf32>
      %swap3A_59 = vector.shape_cast %add3A_54 : vector<16xf32> to vector<1x16xf32>
      tpu.vector_store %arg8[%swap3A_55, %swap3A_56], %swap3A_59 {add = true, strides = array<i32>} : memref<56x128xf32, #tpu.memory_space<vmem>>, vector<1x16xf32>,
      %get3A_60 = arith.index_cast %scan3A_29 : i32 to index
      %get3A_61 = arith.constant 32 : index
      %get3A_62 = tpu.vector_load %arg6[%get3A_60, %get3A_61] {strides = array<i32>} : memref<112x128xf32, #tpu.memory_space<vmem>>, vector<1x16xf32>,
      %get3A_63 = vector.shape_cast %get3A_62 : vector<1x16xf32> to vector<16xf32>
      %add3A_64 = arith.constant 56 : i32
      %add3A_65 = arith.addi %add3A_64, %scan3A_29 : i32
      %get3A_66 = arith.index_cast %add3A_65 : i32 to index
      %get3A_67 = arith.constant 32 : index
      %get3A_68 = tpu.vector_load %arg6[%get3A_66, %get3A_67] {strides = array<i32>} : memref<112x128xf32, #tpu.memory_space<vmem>>, vector<1x16xf32>,
      %get3A_69 = vector.shape_cast %get3A_68 : vector<1x16xf32> to vector<16xf32>
      %add3A_70 = arith.addf %get3A_63, %get3A_69 : vector<16xf32>
      %swap3A_71 = arith.index_cast %scan3A_29 : i32 to index
      %swap3A_72 = arith.constant 32 : index
      %swap3A_73 = tpu.vector_load %arg8[%swap3A_71, %swap3A_72] {strides = array<i32>} : memref<56x128xf32, #tpu.memory_space<vmem>>, vector<1x16xf32>,
      %swap3A_74 = vector.shape_cast %swap3A_73 : vector<1x16xf32> to vector<16xf32>
      %swap3A_75 = vector.shape_cast %add3A_70 : vector<16xf32> to vector<1x16xf32>
      tpu.vector_store %arg8[%swap3A_71, %swap3A_72], %swap3A_75 {add = true, strides = array<i32>} : memref<56x128xf32, #tpu.memory_space<vmem>>, vector<1x16xf32>,
      %get3A_76 = arith.index_cast %scan3A_29 : i32 to index
      %get3A_77 = arith.constant 48 : index
      %get3A_78 = tpu.vector_load %arg6[%get3A_76, %get3A_77] {strides = array<i32>} : memref<112x128xf32, #tpu.memory_space<vmem>>, vector<1x16xf32>,
      %get3A_79 = vector.shape_cast %get3A_78 : vector<1x16xf32> to vector<16xf32>
      %add3A_80 = arith.constant 56 : i32
      %add3A_81 = arith.addi %add3A_80, %scan3A_29 : i32
      %get3A_82 = arith.index_cast %add3A_81 : i32 to index
      %get3A_83 = arith.constant 48 : index
      %get3A_84 = tpu.vector_load %arg6[%get3A_82, %get3A_83] {strides = array<i32>} : memref<112x128xf32, #tpu.memory_space<vmem>>, vector<1x16xf32>,
      %get3A_85 = vector.shape_cast %get3A_84 : vector<1x16xf32> to vector<16xf32>
      %add3A_86 = arith.addf %get3A_79, %get3A_85 : vector<16xf32>
      %swap3A_87 = arith.index_cast %scan3A_29 : i32 to index
      %swap3A_88 = arith.constant 48 : index
      %swap3A_89 = tpu.vector_load %arg8[%swap3A_87, %swap3A_88] {strides = array<i32>} : memref<56x128xf32, #tpu.memory_space<vmem>>, vector<1x16xf32>,
      %swap3A_90 = vector.shape_cast %swap3A_89 : vector<1x16xf32> to vector<16xf32>
      %swap3A_91 = vector.shape_cast %add3A_86 : vector<16xf32> to vector<1x16xf32>
      tpu.vector_store %arg8[%swap3A_87, %swap3A_88], %swap3A_91 {add = true, strides = array<i32>} : memref<56x128xf32, #tpu.memory_space<vmem>>, vector<1x16xf32>,
      %get3A_92 = arith.index_cast %scan3A_29 : i32 to index
      %get3A_93 = arith.constant 64 : index
      %get3A_94 = tpu.vector_load %arg6[%get3A_92, %get3A_93] {strides = array<i32>} : memref<112x128xf32, #tpu.memory_space<vmem>>, vector<1x16xf32>,
      %get3A_95 = vector.shape_cast %get3A_94 : vector<1x16xf32> to vector<16xf32>
      %add3A_96 = arith.constant 56 : i32
      %add3A_97 = arith.addi %add3A_96, %scan3A_29 : i32
      %get3A_98 = arith.index_cast %add3A_97 : i32 to index
      %get3A_99 = arith.constant 64 : index
      %get3A_100 = tpu.vector_load %arg6[%get3A_98, %get3A_99] {strides = array<i32>} : memref<112x128xf32, #tpu.memory_space<vmem>>, vector<1x16xf32>,
      %get3A_101 = vector.shape_cast %get3A_100 : vector<1x16xf32> to vector<16xf32>
      %add3A_102 = arith.addf %get3A_95, %get3A_101 : vector<16xf32>
      %swap3A_103 = arith.index_cast %scan3A_29 : i32 to index
      %swap3A_104 = arith.constant 64 : index
      %swap3A_105 = tpu.vector_load %arg8[%swap3A_103, %swap3A_104] {strides = array<i32>} : memref<56x128xf32, #tpu.memory_space<vmem>>, vector<1x16xf32>,
      %swap3A_106 = vector.shape_cast %swap3A_105 : vector<1x16xf32> to vector<16xf32>
      %swap3A_107 = vector.shape_cast %add3A_102 : vector<16xf32> to vector<1x16xf32>
      tpu.vector_store %arg8[%swap3A_103, %swap3A_104], %swap3A_107 {add = true, strides = array<i32>} : memref<56x128xf32, #tpu.memory_space<vmem>>, vector<1x16xf32>,
      %get3A_108 = arith.index_cast %scan3A_29 : i32 to index
      %get3A_109 = arith.constant 80 : index
      %get3A_110 = tpu.vector_load %arg6[%get3A_108, %get3A_109] {strides = array<i32>} : memref<112x128xf32, #tpu.memory_space<vmem>>, vector<1x16xf32>,
      %get3A_111 = vector.shape_cast %get3A_110 : vector<1x16xf32> to vector<16xf32>
      %add3A_112 = arith.constant 56 : i32
      %add3A_113 = arith.addi %add3A_112, %scan3A_29 : i32
      %get3A_114 = arith.index_cast %add3A_113 : i32 to index
      %get3A_115 = arith.constant 80 : index
      %get3A_116 = tpu.vector_load %arg6[%get3A_114, %get3A_115] {strides = array<i32>} : memref<112x128xf32, #tpu.memory_space<vmem>>, vector<1x16xf32>,
      %get3A_117 = vector.shape_cast %get3A_116 : vector<1x16xf32> to vector<16xf32>
      %add3A_118 = arith.addf %get3A_111, %get3A_117 : vector<16xf32>
      %swap3A_119 = arith.index_cast %scan3A_29 : i32 to index
      %swap3A_120 = arith.constant 80 : index
      %swap3A_121 = tpu.vector_load %arg8[%swap3A_119, %swap3A_120] {strides = array<i32>} : memref<56x128xf32, #tpu.memory_space<vmem>>, vector<1x16xf32>,
      %swap3A_122 = vector.shape_cast %swap3A_121 : vector<1x16xf32> to vector<16xf32>
      %swap3A_123 = vector.shape_cast %add3A_118 : vector<16xf32> to vector<1x16xf32>
      tpu.vector_store %arg8[%swap3A_119, %swap3A_120], %swap3A_123 {add = true, strides = array<i32>} : memref<56x128xf32, #tpu.memory_space<vmem>>, vector<1x16xf32>,
      %get3A_124 = arith.index_cast %scan3A_29 : i32 to index
      %get3A_125 = arith.constant 96 : index
      %get3A_126 = tpu.vector_load %arg6[%get3A_124, %get3A_125] {strides = array<i32>} : memref<112x128xf32, #tpu.memory_space<vmem>>, vector<1x16xf32>,
      %get3A_127 = vector.shape_cast %get3A_126 : vector<1x16xf32> to vector<16xf32>
      %add3A_128 = arith.constant 56 : i32
      %add3A_129 = arith.addi %add3A_128, %scan3A_29 : i32
      %get3A_130 = arith.index_cast %add3A_129 : i32 to index
      %get3A_131 = arith.constant 96 : index
      %get3A_132 = tpu.vector_load %arg6[%get3A_130, %get3A_131] {strides = array<i32>} : memref<112x128xf32, #tpu.memory_space<vmem>>, vector<1x16xf32>,
      %get3A_133 = vector.shape_cast %get3A_132 : vector<1x16xf32> to vector<16xf32>
      %add3A_134 = arith.addf %get3A_127, %get3A_133 : vector<16xf32>
      %swap3A_135 = arith.index_cast %scan3A_29 : i32 to index
      %swap3A_136 = arith.constant 96 : index
      %swap3A_137 = tpu.vector_load %arg8[%swap3A_135, %swap3A_136] {strides = array<i32>} : memref<56x128xf32, #tpu.memory_space<vmem>>, vector<1x16xf32>,
      %swap3A_138 = vector.shape_cast %swap3A_137 : vector<1x16xf32> to vector<16xf32>
      %swap3A_139 = vector.shape_cast %add3A_134 : vector<16xf32> to vector<1x16xf32>
      tpu.vector_store %arg8[%swap3A_135, %swap3A_136], %swap3A_139 {add = true, strides = array<i32>} : memref<56x128xf32, #tpu.memory_space<vmem>>, vector<1x16xf32>,
      %get3A_140 = arith.index_cast %scan3A_29 : i32 to index
      %get3A_141 = arith.constant 112 : index
      %get3A_142 = tpu.vector_load %arg6[%get3A_140, %get3A_141] {strides = array<i32>} : memref<112x128xf32, #tpu.memory_space<vmem>>, vector<1x16xf32>,
      %get3A_143 = vector.shape_cast %get3A_142 : vector<1x16xf32> to vector<16xf32>
      %add3A_144 = arith.constant 56 : i32
      %add3A_145 = arith.addi %add3A_144, %scan3A_29 : i32
      %get3A_146 = arith.index_cast %add3A_145 : i32 to index
      %get3A_147 = arith.constant 112 : index
      %get3A_148 = tpu.vector_load %arg6[%get3A_146, %get3A_147] {strides = array<i32>} : memref<112x128xf32, #tpu.memory_space<vmem>>, vector<1x16xf32>,
      %get3A_149 = vector.shape_cast %get3A_148 : vector<1x16xf32> to vector<16xf32>
      %add3A_150 = arith.addf %get3A_143, %get3A_149 : vector<16xf32>
      %swap3A_151 = arith.index_cast %scan3A_29 : i32 to index
      %swap3A_152 = arith.constant 112 : index
      %swap3A_153 = tpu.vector_load %arg8[%swap3A_151, %swap3A_152] {strides = array<i32>} : memref<56x128xf32, #tpu.memory_space<vmem>>, vector<1x16xf32>,
      %swap3A_154 = vector.shape_cast %swap3A_153 : vector<1x16xf32> to vector<16xf32>
      %swap3A_155 = vector.shape_cast %add3A_150 : vector<16xf32> to vector<1x16xf32>
      tpu.vector_store %arg8[%swap3A_151, %swap3A_152], %swap3A_155 {add = true, strides = array<i32>} : memref<56x128xf32, #tpu.memory_space<vmem>>, vector<1x16xf32>,
    }
    %scan3A_26 = arith.constant 56 : i32
    %mul3A_27 = arith.constant 56 : i32
    %mul3A_28 = arith.muli %add3A, %mul3A_27 : i32
    "tpu.region"() ({
      %run_scoped3A = tpu.sem_alloc : memref<!tpu.dma_semaphore, #tpu.memory_space<semaphore_mem>>
      %dma_start3A_29 = arith.constant 0 : i32
      %dma_start3A_30 = tpu.memref_slice %arg4[%mul3A_28, %dma_start3A_29] : memref<1792x128xf32, #tpu.memory_space<hbm>> -> memref<56x128xf32, #tpu.memory_space<hbm>>
      %dma_start3A_31 = arith.constant 0 : i32
      %dma_start3A_32 = tpu.memref_slice %arg4[%mul3A_28, %dma_start3A_31] : memref<1792x128xf32, #tpu.memory_space<hbm>> -> memref<56x128xf32, #tpu.memory_space<hbm>>
      tpu.enqueue_dma source(%arg8 : memref<56x128xf32, #tpu.memory_space<vmem>>) target(%dma_start3A_32 : memref<56x128xf32, #tpu.memory_space<hbm>>) target_semaphore(%run_scoped3A : memref<!tpu.dma_semaphore, #tpu.memory_space<semaphore_mem>>)
      %dma_wait3A_33 = arith.constant 0 : i32
      %dma_wait3A_34 = tpu.memref_slice %arg4[%mul3A_28, %dma_wait3A_33] : memref<1792x128xf32, #tpu.memory_space<hbm>> -> memref<56x128xf32, #tpu.memory_space<hbm>>
      %dma_wait3A_35 = arith.constant 0 : i32
      %dma_wait3A_36 = tpu.memref_slice %arg4[%mul3A_28, %dma_wait3A_35] : memref<1792x128xf32, #tpu.memory_space<hbm>> -> memref<56x128xf32, #tpu.memory_space<hbm>>
      tpu.wait_dma2 semaphore(%run_scoped3A : memref<!tpu.dma_semaphore, #tpu.memory_space<semaphore_mem>>) src(%arg8 : memref<56x128xf32, #tpu.memory_space<vmem>>) dst(%dma_wait3A_36 : memref<56x128xf32, #tpu.memory_space<hbm>>)
      tpu.yield
    }) : () -> ()
    return
  }
}

module attributes {stable_mosaic.version = 14 : i64} {
  func.func @_proj_body(%arg0: i32, %arg1: memref<160x128xf32, #tpu.memory_space<vmem>>, %arg2: memref<10x128x128xf32, #tpu.memory_space<vmem>>, %arg3: memref<1x128xf32, #tpu.memory_space<vmem>>, %arg4: memref<10x160x128xf32, #tpu.memory_space<vmem>>, %arg5: memref<10x160x128xbf16, #tpu.memory_space<vmem>>) attributes {dimension_semantics = [#tpu.dimension_semantics<arbitrary>], iteration_bounds = array<i64: 5>, scalar_prefetch = 0 : i64, scratch_operands = 0 : i64, tpu.core_type = #tpu.core_type<tc>, window_params = [{pipeline_mode = #tpu.pipeline_mode<synchronous>, transform_indices = @transform_0, window_bounds = array<i64: 160, 128>}, {transform_indices = @transform_1, window_bounds = array<i64: 10, 128, 128>}, {pipeline_mode = #tpu.pipeline_mode<synchronous>, transform_indices = @transform_2, window_bounds = array<i64: 1, 128>}, {transform_indices = @transform_3, window_bounds = array<i64: 10, 160, 128>}, {transform_indices = @transform_4, window_bounds = array<i64: 10, 160, 128>}]} {
    %get3A = arith.constant 0 : index
    %get3A_0 = arith.constant 0 : index
    %get3A_1 = vector.load %arg1[%get3A, %get3A_0] : memref<160x128xf32, #tpu.memory_space<vmem>>, vector<160x128xf32>
    %get3A_2 = arith.constant 0 : index
    %get3A_3 = arith.constant 0 : index
    %get3A_4 = arith.constant 0 : index
    %get3A_5 = vector.load %arg2[%get3A_2, %get3A_3, %get3A_4] : memref<10x128x128xf32, #tpu.memory_space<vmem>>, vector<1x128x128xf32>
    %get3A_6 = vector.shape_cast %get3A_5 : vector<1x128x128xf32> to vector<128x128xf32>
    %dot_general3A = arith.constant dense<0.000000e+00> : vector<160x128xf32>
    %dot_general3A_7 = tpu.matmul %get3A_1, %get3A_6, %dot_general3A {dimension_numbers = #tpu.dot_dimension_numbers<[1], [0], [0], [1], [0, 0, 1, 1], [], []>, transpose_lhs_hint = false} : vector<160x128xf32>, vector<128x128xf32>, vector<160x128xf32> -> vector<160x128xf32>
    %eq3A = arith.constant 0 : i32
    %eq3A_8 = arith.cmpi eq, %arg0, %eq3A : i32
    %jit3A = arith.constant 1.000000e+00 : f32
    %jit3A_9 = arith.constant 0.000000e+00 : f32
    %select_n3A = arith.select %eq3A_8, %jit3A, %jit3A_9 : f32
    %get3A_10 = arith.constant 0 : index
    %get3A_11 = arith.constant 0 : index
    %get3A_12 = vector.load %arg3[%get3A_10, %get3A_11] : memref<1x128xf32, #tpu.memory_space<vmem>>, vector<1x128xf32>
    %get3A_13 = vector.shape_cast %get3A_12 : vector<1x128xf32> to vector<128xf32>
    %mul3A = vector.broadcast %select_n3A : f32 to vector<128xf32>
    %mul3A_14 = arith.mulf %mul3A, %get3A_13 : vector<128xf32>
    %broadcast_in_dim3A = vector.shape_cast %mul3A_14 : vector<128xf32> to vector<1x128xf32>
    %add3A = vector.broadcast %broadcast_in_dim3A : vector<1x128xf32> to vector<160x128xf32>
    %add3A_15 = arith.addf %dot_general3A_7, %add3A : vector<160x128xf32>
    %swap3A = arith.constant 0 : index
    %swap3A_16 = arith.constant 0 : index
    %swap3A_17 = arith.constant 0 : index
    %swap3A_18 = vector.load %arg4[%swap3A, %swap3A_16, %swap3A_17] : memref<10x160x128xf32, #tpu.memory_space<vmem>>, vector<1x160x128xf32>
    %swap3A_19 = vector.shape_cast %swap3A_18 : vector<1x160x128xf32> to vector<160x128xf32>
    %swap3A_20 = vector.shape_cast %add3A_15 : vector<160x128xf32> to vector<1x160x128xf32>
    tpu.vector_store %arg4[%swap3A, %swap3A_16, %swap3A_17], %swap3A_20 {strides = array<i32>} : memref<10x160x128xf32, #tpu.memory_space<vmem>>, vector<1x160x128xf32>,
    %convert_element_type3A = arith.truncf %add3A_15 : vector<160x128xf32> to vector<160x128xbf16>
    %swap3A_21 = arith.constant 0 : index
    %swap3A_22 = arith.constant 0 : index
    %swap3A_23 = arith.constant 0 : index
    %swap3A_24 = vector.load %arg5[%swap3A_21, %swap3A_22, %swap3A_23] : memref<10x160x128xbf16, #tpu.memory_space<vmem>>, vector<1x160x128xbf16>
    %swap3A_25 = vector.shape_cast %swap3A_24 : vector<1x160x128xbf16> to vector<160x128xbf16>
    %swap3A_26 = vector.shape_cast %convert_element_type3A : vector<160x128xbf16> to vector<1x160x128xbf16>
    tpu.vector_store %arg5[%swap3A_21, %swap3A_22, %swap3A_23], %swap3A_26 {strides = array<i32>} : memref<10x160x128xbf16, #tpu.memory_space<vmem>>, vector<1x160x128xbf16>,
    %get3A_27 = arith.constant 0 : index
    %get3A_28 = arith.constant 0 : index
    %get3A_29 = vector.load %arg1[%get3A_27, %get3A_28] : memref<160x128xf32, #tpu.memory_space<vmem>>, vector<160x128xf32>
    %get3A_30 = arith.constant 1 : index
    %get3A_31 = arith.constant 0 : index
    %get3A_32 = arith.constant 0 : index
    %get3A_33 = vector.load %arg2[%get3A_30, %get3A_31, %get3A_32] : memref<10x128x128xf32, #tpu.memory_space<vmem>>, vector<1x128x128xf32>
    %get3A_34 = vector.shape_cast %get3A_33 : vector<1x128x128xf32> to vector<128x128xf32>
    %dot_general3A_35 = arith.constant dense<0.000000e+00> : vector<160x128xf32>
    %dot_general3A_36 = tpu.matmul %get3A_29, %get3A_34, %dot_general3A_35 {dimension_numbers = #tpu.dot_dimension_numbers<[1], [0], [0], [1], [0, 0, 1, 1], [], []>, transpose_lhs_hint = false} : vector<160x128xf32>, vector<128x128xf32>, vector<160x128xf32> -> vector<160x128xf32>
    %swap3A_37 = arith.constant 1 : index
    %swap3A_38 = arith.constant 0 : index
    %swap3A_39 = arith.constant 0 : index
    %swap3A_40 = vector.load %arg4[%swap3A_37, %swap3A_38, %swap3A_39] : memref<10x160x128xf32, #tpu.memory_space<vmem>>, vector<1x160x128xf32>
    %swap3A_41 = vector.shape_cast %swap3A_40 : vector<1x160x128xf32> to vector<160x128xf32>
    %swap3A_42 = vector.shape_cast %dot_general3A_36 : vector<160x128xf32> to vector<1x160x128xf32>
    tpu.vector_store %arg4[%swap3A_37, %swap3A_38, %swap3A_39], %swap3A_42 {strides = array<i32>} : memref<10x160x128xf32, #tpu.memory_space<vmem>>, vector<1x160x128xf32>,
    %convert_element_type3A_43 = arith.truncf %dot_general3A_36 : vector<160x128xf32> to vector<160x128xbf16>
    %swap3A_44 = arith.constant 1 : index
    %swap3A_45 = arith.constant 0 : index
    %swap3A_46 = arith.constant 0 : index
    %swap3A_47 = vector.load %arg5[%swap3A_44, %swap3A_45, %swap3A_46] : memref<10x160x128xbf16, #tpu.memory_space<vmem>>, vector<1x160x128xbf16>
    %swap3A_48 = vector.shape_cast %swap3A_47 : vector<1x160x128xbf16> to vector<160x128xbf16>
    %swap3A_49 = vector.shape_cast %convert_element_type3A_43 : vector<160x128xbf16> to vector<1x160x128xbf16>
    tpu.vector_store %arg5[%swap3A_44, %swap3A_45, %swap3A_46], %swap3A_49 {strides = array<i32>} : memref<10x160x128xbf16, #tpu.memory_space<vmem>>, vector<1x160x128xbf16>,
    %get3A_50 = arith.constant 0 : index
    %get3A_51 = arith.constant 0 : index
    %get3A_52 = vector.load %arg1[%get3A_50, %get3A_51] : memref<160x128xf32, #tpu.memory_space<vmem>>, vector<160x128xf32>
    %get3A_53 = arith.constant 2 : index
    %get3A_54 = arith.constant 0 : index
    %get3A_55 = arith.constant 0 : index
    %get3A_56 = vector.load %arg2[%get3A_53, %get3A_54, %get3A_55] : memref<10x128x128xf32, #tpu.memory_space<vmem>>, vector<1x128x128xf32>
    %get3A_57 = vector.shape_cast %get3A_56 : vector<1x128x128xf32> to vector<128x128xf32>
    %dot_general3A_58 = arith.constant dense<0.000000e+00> : vector<160x128xf32>
    %dot_general3A_59 = tpu.matmul %get3A_52, %get3A_57, %dot_general3A_58 {dimension_numbers = #tpu.dot_dimension_numbers<[1], [0], [0], [1], [0, 0, 1, 1], [], []>, transpose_lhs_hint = false} : vector<160x128xf32>, vector<128x128xf32>, vector<160x128xf32> -> vector<160x128xf32>
    %swap3A_60 = arith.constant 2 : index
    %swap3A_61 = arith.constant 0 : index
    %swap3A_62 = arith.constant 0 : index
    %swap3A_63 = vector.load %arg4[%swap3A_60, %swap3A_61, %swap3A_62] : memref<10x160x128xf32, #tpu.memory_space<vmem>>, vector<1x160x128xf32>
    %swap3A_64 = vector.shape_cast %swap3A_63 : vector<1x160x128xf32> to vector<160x128xf32>
    %swap3A_65 = vector.shape_cast %dot_general3A_59 : vector<160x128xf32> to vector<1x160x128xf32>
    tpu.vector_store %arg4[%swap3A_60, %swap3A_61, %swap3A_62], %swap3A_65 {strides = array<i32>} : memref<10x160x128xf32, #tpu.memory_space<vmem>>, vector<1x160x128xf32>,
    %convert_element_type3A_66 = arith.truncf %dot_general3A_59 : vector<160x128xf32> to vector<160x128xbf16>
    %swap3A_67 = arith.constant 2 : index
    %swap3A_68 = arith.constant 0 : index
    %swap3A_69 = arith.constant 0 : index
    %swap3A_70 = vector.load %arg5[%swap3A_67, %swap3A_68, %swap3A_69] : memref<10x160x128xbf16, #tpu.memory_space<vmem>>, vector<1x160x128xbf16>
    %swap3A_71 = vector.shape_cast %swap3A_70 : vector<1x160x128xbf16> to vector<160x128xbf16>
    %swap3A_72 = vector.shape_cast %convert_element_type3A_66 : vector<160x128xbf16> to vector<1x160x128xbf16>
    tpu.vector_store %arg5[%swap3A_67, %swap3A_68, %swap3A_69], %swap3A_72 {strides = array<i32>} : memref<10x160x128xbf16, #tpu.memory_space<vmem>>, vector<1x160x128xbf16>,
    %get3A_73 = arith.constant 0 : index
    %get3A_74 = arith.constant 0 : index
    %get3A_75 = vector.load %arg1[%get3A_73, %get3A_74] : memref<160x128xf32, #tpu.memory_space<vmem>>, vector<160x128xf32>
    %get3A_76 = arith.constant 3 : index
    %get3A_77 = arith.constant 0 : index
    %get3A_78 = arith.constant 0 : index
    %get3A_79 = vector.load %arg2[%get3A_76, %get3A_77, %get3A_78] : memref<10x128x128xf32, #tpu.memory_space<vmem>>, vector<1x128x128xf32>
    %get3A_80 = vector.shape_cast %get3A_79 : vector<1x128x128xf32> to vector<128x128xf32>
    %dot_general3A_81 = arith.constant dense<0.000000e+00> : vector<160x128xf32>
    %dot_general3A_82 = tpu.matmul %get3A_75, %get3A_80, %dot_general3A_81 {dimension_numbers = #tpu.dot_dimension_numbers<[1], [0], [0], [1], [0, 0, 1, 1], [], []>, transpose_lhs_hint = false} : vector<160x128xf32>, vector<128x128xf32>, vector<160x128xf32> -> vector<160x128xf32>
    %swap3A_83 = arith.constant 3 : index
    %swap3A_84 = arith.constant 0 : index
    %swap3A_85 = arith.constant 0 : index
    %swap3A_86 = vector.load %arg4[%swap3A_83, %swap3A_84, %swap3A_85] : memref<10x160x128xf32, #tpu.memory_space<vmem>>, vector<1x160x128xf32>
    %swap3A_87 = vector.shape_cast %swap3A_86 : vector<1x160x128xf32> to vector<160x128xf32>
    %swap3A_88 = vector.shape_cast %dot_general3A_82 : vector<160x128xf32> to vector<1x160x128xf32>
    tpu.vector_store %arg4[%swap3A_83, %swap3A_84, %swap3A_85], %swap3A_88 {strides = array<i32>} : memref<10x160x128xf32, #tpu.memory_space<vmem>>, vector<1x160x128xf32>,
    %convert_element_type3A_89 = arith.truncf %dot_general3A_82 : vector<160x128xf32> to vector<160x128xbf16>
    %swap3A_90 = arith.constant 3 : index
    %swap3A_91 = arith.constant 0 : index
    %swap3A_92 = arith.constant 0 : index
    %swap3A_93 = vector.load %arg5[%swap3A_90, %swap3A_91, %swap3A_92] : memref<10x160x128xbf16, #tpu.memory_space<vmem>>, vector<1x160x128xbf16>
    %swap3A_94 = vector.shape_cast %swap3A_93 : vector<1x160x128xbf16> to vector<160x128xbf16>
    %swap3A_95 = vector.shape_cast %convert_element_type3A_89 : vector<160x128xbf16> to vector<1x160x128xbf16>
    tpu.vector_store %arg5[%swap3A_90, %swap3A_91, %swap3A_92], %swap3A_95 {strides = array<i32>} : memref<10x160x128xbf16, #tpu.memory_space<vmem>>, vector<1x160x128xbf16>,
    %get3A_96 = arith.constant 0 : index
    %get3A_97 = arith.constant 0 : index
    %get3A_98 = vector.load %arg1[%get3A_96, %get3A_97] : memref<160x128xf32, #tpu.memory_space<vmem>>, vector<160x128xf32>
    %get3A_99 = arith.constant 4 : index
    %get3A_100 = arith.constant 0 : index
    %get3A_101 = arith.constant 0 : index
    %get3A_102 = vector.load %arg2[%get3A_99, %get3A_100, %get3A_101] : memref<10x128x128xf32, #tpu.memory_space<vmem>>, vector<1x128x128xf32>
    %get3A_103 = vector.shape_cast %get3A_102 : vector<1x128x128xf32> to vector<128x128xf32>
    %dot_general3A_104 = arith.constant dense<0.000000e+00> : vector<160x128xf32>
    %dot_general3A_105 = tpu.matmul %get3A_98, %get3A_103, %dot_general3A_104 {dimension_numbers = #tpu.dot_dimension_numbers<[1], [0], [0], [1], [0, 0, 1, 1], [], []>, transpose_lhs_hint = false} : vector<160x128xf32>, vector<128x128xf32>, vector<160x128xf32> -> vector<160x128xf32>
    %swap3A_106 = arith.constant 4 : index
    %swap3A_107 = arith.constant 0 : index
    %swap3A_108 = arith.constant 0 : index
    %swap3A_109 = vector.load %arg4[%swap3A_106, %swap3A_107, %swap3A_108] : memref<10x160x128xf32, #tpu.memory_space<vmem>>, vector<1x160x128xf32>
    %swap3A_110 = vector.shape_cast %swap3A_109 : vector<1x160x128xf32> to vector<160x128xf32>
    %swap3A_111 = vector.shape_cast %dot_general3A_105 : vector<160x128xf32> to vector<1x160x128xf32>
    tpu.vector_store %arg4[%swap3A_106, %swap3A_107, %swap3A_108], %swap3A_111 {strides = array<i32>} : memref<10x160x128xf32, #tpu.memory_space<vmem>>, vector<1x160x128xf32>,
    %convert_element_type3A_112 = arith.truncf %dot_general3A_105 : vector<160x128xf32> to vector<160x128xbf16>
    %swap3A_113 = arith.constant 4 : index
    %swap3A_114 = arith.constant 0 : index
    %swap3A_115 = arith.constant 0 : index
    %swap3A_116 = vector.load %arg5[%swap3A_113, %swap3A_114, %swap3A_115] : memref<10x160x128xbf16, #tpu.memory_space<vmem>>, vector<1x160x128xbf16>
    %swap3A_117 = vector.shape_cast %swap3A_116 : vector<1x160x128xbf16> to vector<160x128xbf16>
    %swap3A_118 = vector.shape_cast %convert_element_type3A_112 : vector<160x128xbf16> to vector<1x160x128xbf16>
    tpu.vector_store %arg5[%swap3A_113, %swap3A_114, %swap3A_115], %swap3A_118 {strides = array<i32>} : memref<10x160x128xbf16, #tpu.memory_space<vmem>>, vector<1x160x128xbf16>,
    %get3A_119 = arith.constant 0 : index
    %get3A_120 = arith.constant 0 : index
    %get3A_121 = vector.load %arg1[%get3A_119, %get3A_120] : memref<160x128xf32, #tpu.memory_space<vmem>>, vector<160x128xf32>
    %get3A_122 = arith.constant 5 : index
    %get3A_123 = arith.constant 0 : index
    %get3A_124 = arith.constant 0 : index
    %get3A_125 = vector.load %arg2[%get3A_122, %get3A_123, %get3A_124] : memref<10x128x128xf32, #tpu.memory_space<vmem>>, vector<1x128x128xf32>
    %get3A_126 = vector.shape_cast %get3A_125 : vector<1x128x128xf32> to vector<128x128xf32>
    %dot_general3A_127 = arith.constant dense<0.000000e+00> : vector<160x128xf32>
    %dot_general3A_128 = tpu.matmul %get3A_121, %get3A_126, %dot_general3A_127 {dimension_numbers = #tpu.dot_dimension_numbers<[1], [0], [0], [1], [0, 0, 1, 1], [], []>, transpose_lhs_hint = false} : vector<160x128xf32>, vector<128x128xf32>, vector<160x128xf32> -> vector<160x128xf32>
    %swap3A_129 = arith.constant 5 : index
    %swap3A_130 = arith.constant 0 : index
    %swap3A_131 = arith.constant 0 : index
    %swap3A_132 = vector.load %arg4[%swap3A_129, %swap3A_130, %swap3A_131] : memref<10x160x128xf32, #tpu.memory_space<vmem>>, vector<1x160x128xf32>
    %swap3A_133 = vector.shape_cast %swap3A_132 : vector<1x160x128xf32> to vector<160x128xf32>
    %swap3A_134 = vector.shape_cast %dot_general3A_128 : vector<160x128xf32> to vector<1x160x128xf32>
    tpu.vector_store %arg4[%swap3A_129, %swap3A_130, %swap3A_131], %swap3A_134 {strides = array<i32>} : memref<10x160x128xf32, #tpu.memory_space<vmem>>, vector<1x160x128xf32>,
    %convert_element_type3A_135 = arith.truncf %dot_general3A_128 : vector<160x128xf32> to vector<160x128xbf16>
    %swap3A_136 = arith.constant 5 : index
    %swap3A_137 = arith.constant 0 : index
    %swap3A_138 = arith.constant 0 : index
    %swap3A_139 = vector.load %arg5[%swap3A_136, %swap3A_137, %swap3A_138] : memref<10x160x128xbf16, #tpu.memory_space<vmem>>, vector<1x160x128xbf16>
    %swap3A_140 = vector.shape_cast %swap3A_139 : vector<1x160x128xbf16> to vector<160x128xbf16>
    %swap3A_141 = vector.shape_cast %convert_element_type3A_135 : vector<160x128xbf16> to vector<1x160x128xbf16>
    tpu.vector_store %arg5[%swap3A_136, %swap3A_137, %swap3A_138], %swap3A_141 {strides = array<i32>} : memref<10x160x128xbf16, #tpu.memory_space<vmem>>, vector<1x160x128xbf16>,
    %get3A_142 = arith.constant 0 : index
    %get3A_143 = arith.constant 0 : index
    %get3A_144 = vector.load %arg1[%get3A_142, %get3A_143] : memref<160x128xf32, #tpu.memory_space<vmem>>, vector<160x128xf32>
    %get3A_145 = arith.constant 6 : index
    %get3A_146 = arith.constant 0 : index
    %get3A_147 = arith.constant 0 : index
    %get3A_148 = vector.load %arg2[%get3A_145, %get3A_146, %get3A_147] : memref<10x128x128xf32, #tpu.memory_space<vmem>>, vector<1x128x128xf32>
    %get3A_149 = vector.shape_cast %get3A_148 : vector<1x128x128xf32> to vector<128x128xf32>
    %dot_general3A_150 = arith.constant dense<0.000000e+00> : vector<160x128xf32>
    %dot_general3A_151 = tpu.matmul %get3A_144, %get3A_149, %dot_general3A_150 {dimension_numbers = #tpu.dot_dimension_numbers<[1], [0], [0], [1], [0, 0, 1, 1], [], []>, transpose_lhs_hint = false} : vector<160x128xf32>, vector<128x128xf32>, vector<160x128xf32> -> vector<160x128xf32>
    %swap3A_152 = arith.constant 6 : index
    %swap3A_153 = arith.constant 0 : index
    %swap3A_154 = arith.constant 0 : index
    %swap3A_155 = vector.load %arg4[%swap3A_152, %swap3A_153, %swap3A_154] : memref<10x160x128xf32, #tpu.memory_space<vmem>>, vector<1x160x128xf32>
    %swap3A_156 = vector.shape_cast %swap3A_155 : vector<1x160x128xf32> to vector<160x128xf32>
    %swap3A_157 = vector.shape_cast %dot_general3A_151 : vector<160x128xf32> to vector<1x160x128xf32>
    tpu.vector_store %arg4[%swap3A_152, %swap3A_153, %swap3A_154], %swap3A_157 {strides = array<i32>} : memref<10x160x128xf32, #tpu.memory_space<vmem>>, vector<1x160x128xf32>,
    %convert_element_type3A_158 = arith.truncf %dot_general3A_151 : vector<160x128xf32> to vector<160x128xbf16>
    %swap3A_159 = arith.constant 6 : index
    %swap3A_160 = arith.constant 0 : index
    %swap3A_161 = arith.constant 0 : index
    %swap3A_162 = vector.load %arg5[%swap3A_159, %swap3A_160, %swap3A_161] : memref<10x160x128xbf16, #tpu.memory_space<vmem>>, vector<1x160x128xbf16>
    %swap3A_163 = vector.shape_cast %swap3A_162 : vector<1x160x128xbf16> to vector<160x128xbf16>
    %swap3A_164 = vector.shape_cast %convert_element_type3A_158 : vector<160x128xbf16> to vector<1x160x128xbf16>
    tpu.vector_store %arg5[%swap3A_159, %swap3A_160, %swap3A_161], %swap3A_164 {strides = array<i32>} : memref<10x160x128xbf16, #tpu.memory_space<vmem>>, vector<1x160x128xbf16>,
    %get3A_165 = arith.constant 0 : index
    %get3A_166 = arith.constant 0 : index
    %get3A_167 = vector.load %arg1[%get3A_165, %get3A_166] : memref<160x128xf32, #tpu.memory_space<vmem>>, vector<160x128xf32>
    %get3A_168 = arith.constant 7 : index
    %get3A_169 = arith.constant 0 : index
    %get3A_170 = arith.constant 0 : index
    %get3A_171 = vector.load %arg2[%get3A_168, %get3A_169, %get3A_170] : memref<10x128x128xf32, #tpu.memory_space<vmem>>, vector<1x128x128xf32>
    %get3A_172 = vector.shape_cast %get3A_171 : vector<1x128x128xf32> to vector<128x128xf32>
    %dot_general3A_173 = arith.constant dense<0.000000e+00> : vector<160x128xf32>
    %dot_general3A_174 = tpu.matmul %get3A_167, %get3A_172, %dot_general3A_173 {dimension_numbers = #tpu.dot_dimension_numbers<[1], [0], [0], [1], [0, 0, 1, 1], [], []>, transpose_lhs_hint = false} : vector<160x128xf32>, vector<128x128xf32>, vector<160x128xf32> -> vector<160x128xf32>
    %swap3A_175 = arith.constant 7 : index
    %swap3A_176 = arith.constant 0 : index
    %swap3A_177 = arith.constant 0 : index
    %swap3A_178 = vector.load %arg4[%swap3A_175, %swap3A_176, %swap3A_177] : memref<10x160x128xf32, #tpu.memory_space<vmem>>, vector<1x160x128xf32>
    %swap3A_179 = vector.shape_cast %swap3A_178 : vector<1x160x128xf32> to vector<160x128xf32>
    %swap3A_180 = vector.shape_cast %dot_general3A_174 : vector<160x128xf32> to vector<1x160x128xf32>
    tpu.vector_store %arg4[%swap3A_175, %swap3A_176, %swap3A_177], %swap3A_180 {strides = array<i32>} : memref<10x160x128xf32, #tpu.memory_space<vmem>>, vector<1x160x128xf32>,
    %convert_element_type3A_181 = arith.truncf %dot_general3A_174 : vector<160x128xf32> to vector<160x128xbf16>
    %swap3A_182 = arith.constant 7 : index
    %swap3A_183 = arith.constant 0 : index
    %swap3A_184 = arith.constant 0 : index
    %swap3A_185 = vector.load %arg5[%swap3A_182, %swap3A_183, %swap3A_184] : memref<10x160x128xbf16, #tpu.memory_space<vmem>>, vector<1x160x128xbf16>
    %swap3A_186 = vector.shape_cast %swap3A_185 : vector<1x160x128xbf16> to vector<160x128xbf16>
    %swap3A_187 = vector.shape_cast %convert_element_type3A_181 : vector<160x128xbf16> to vector<1x160x128xbf16>
    tpu.vector_store %arg5[%swap3A_182, %swap3A_183, %swap3A_184], %swap3A_187 {strides = array<i32>} : memref<10x160x128xbf16, #tpu.memory_space<vmem>>, vector<1x160x128xbf16>,
    %get3A_188 = arith.constant 0 : index
    %get3A_189 = arith.constant 0 : index
    %get3A_190 = vector.load %arg1[%get3A_188, %get3A_189] : memref<160x128xf32, #tpu.memory_space<vmem>>, vector<160x128xf32>
    %get3A_191 = arith.constant 8 : index
    %get3A_192 = arith.constant 0 : index
    %get3A_193 = arith.constant 0 : index
    %get3A_194 = vector.load %arg2[%get3A_191, %get3A_192, %get3A_193] : memref<10x128x128xf32, #tpu.memory_space<vmem>>, vector<1x128x128xf32>
    %get3A_195 = vector.shape_cast %get3A_194 : vector<1x128x128xf32> to vector<128x128xf32>
    %dot_general3A_196 = arith.constant dense<0.000000e+00> : vector<160x128xf32>
    %dot_general3A_197 = tpu.matmul %get3A_190, %get3A_195, %dot_general3A_196 {dimension_numbers = #tpu.dot_dimension_numbers<[1], [0], [0], [1], [0, 0, 1, 1], [], []>, transpose_lhs_hint = false} : vector<160x128xf32>, vector<128x128xf32>, vector<160x128xf32> -> vector<160x128xf32>
    %swap3A_198 = arith.constant 8 : index
    %swap3A_199 = arith.constant 0 : index
    %swap3A_200 = arith.constant 0 : index
    %swap3A_201 = vector.load %arg4[%swap3A_198, %swap3A_199, %swap3A_200] : memref<10x160x128xf32, #tpu.memory_space<vmem>>, vector<1x160x128xf32>
    %swap3A_202 = vector.shape_cast %swap3A_201 : vector<1x160x128xf32> to vector<160x128xf32>
    %swap3A_203 = vector.shape_cast %dot_general3A_197 : vector<160x128xf32> to vector<1x160x128xf32>
    tpu.vector_store %arg4[%swap3A_198, %swap3A_199, %swap3A_200], %swap3A_203 {strides = array<i32>} : memref<10x160x128xf32, #tpu.memory_space<vmem>>, vector<1x160x128xf32>,
    %convert_element_type3A_204 = arith.truncf %dot_general3A_197 : vector<160x128xf32> to vector<160x128xbf16>
    %swap3A_205 = arith.constant 8 : index
    %swap3A_206 = arith.constant 0 : index
    %swap3A_207 = arith.constant 0 : index
    %swap3A_208 = vector.load %arg5[%swap3A_205, %swap3A_206, %swap3A_207] : memref<10x160x128xbf16, #tpu.memory_space<vmem>>, vector<1x160x128xbf16>
    %swap3A_209 = vector.shape_cast %swap3A_208 : vector<1x160x128xbf16> to vector<160x128xbf16>
    %swap3A_210 = vector.shape_cast %convert_element_type3A_204 : vector<160x128xbf16> to vector<1x160x128xbf16>
    tpu.vector_store %arg5[%swap3A_205, %swap3A_206, %swap3A_207], %swap3A_210 {strides = array<i32>} : memref<10x160x128xbf16, #tpu.memory_space<vmem>>, vector<1x160x128xbf16>,
    %get3A_211 = arith.constant 0 : index
    %get3A_212 = arith.constant 0 : index
    %get3A_213 = vector.load %arg1[%get3A_211, %get3A_212] : memref<160x128xf32, #tpu.memory_space<vmem>>, vector<160x128xf32>
    %get3A_214 = arith.constant 9 : index
    %get3A_215 = arith.constant 0 : index
    %get3A_216 = arith.constant 0 : index
    %get3A_217 = vector.load %arg2[%get3A_214, %get3A_215, %get3A_216] : memref<10x128x128xf32, #tpu.memory_space<vmem>>, vector<1x128x128xf32>
    %get3A_218 = vector.shape_cast %get3A_217 : vector<1x128x128xf32> to vector<128x128xf32>
    %dot_general3A_219 = arith.constant dense<0.000000e+00> : vector<160x128xf32>
    %dot_general3A_220 = tpu.matmul %get3A_213, %get3A_218, %dot_general3A_219 {dimension_numbers = #tpu.dot_dimension_numbers<[1], [0], [0], [1], [0, 0, 1, 1], [], []>, transpose_lhs_hint = false} : vector<160x128xf32>, vector<128x128xf32>, vector<160x128xf32> -> vector<160x128xf32>
    %swap3A_221 = arith.constant 9 : index
    %swap3A_222 = arith.constant 0 : index
    %swap3A_223 = arith.constant 0 : index
    %swap3A_224 = vector.load %arg4[%swap3A_221, %swap3A_222, %swap3A_223] : memref<10x160x128xf32, #tpu.memory_space<vmem>>, vector<1x160x128xf32>
    %swap3A_225 = vector.shape_cast %swap3A_224 : vector<1x160x128xf32> to vector<160x128xf32>
    %swap3A_226 = vector.shape_cast %dot_general3A_220 : vector<160x128xf32> to vector<1x160x128xf32>
    tpu.vector_store %arg4[%swap3A_221, %swap3A_222, %swap3A_223], %swap3A_226 {strides = array<i32>} : memref<10x160x128xf32, #tpu.memory_space<vmem>>, vector<1x160x128xf32>,
    %convert_element_type3A_227 = arith.truncf %dot_general3A_220 : vector<160x128xf32> to vector<160x128xbf16>
    %swap3A_228 = arith.constant 9 : index
    %swap3A_229 = arith.constant 0 : index
    %swap3A_230 = arith.constant 0 : index
    %swap3A_231 = vector.load %arg5[%swap3A_228, %swap3A_229, %swap3A_230] : memref<10x160x128xbf16, #tpu.memory_space<vmem>>, vector<1x160x128xbf16>
    %swap3A_232 = vector.shape_cast %swap3A_231 : vector<1x160x128xbf16> to vector<160x128xbf16>
    %swap3A_233 = vector.shape_cast %convert_element_type3A_227 : vector<160x128xbf16> to vector<1x160x128xbf16>
    tpu.vector_store %arg5[%swap3A_228, %swap3A_229, %swap3A_230], %swap3A_233 {strides = array<i32>} : memref<10x160x128xbf16, #tpu.memory_space<vmem>>, vector<1x160x128xbf16>,
    return
  }
  func.func @transform_0(%arg0: i32) -> (i32, i32) {
    %c0_i32 = arith.constant 0 : i32
    %c0_i32_0 = arith.constant 0 : i32
    %c0_i32_1 = arith.constant 0 : i32
    return %c0_i32, %c0_i32_0 : i32, i32
  }
  func.func @transform_1(%arg0: i32) -> (i32, i32, i32) {
    %c0_i32 = arith.constant 0 : i32
    %c0_i32_0 = arith.constant 0 : i32
    %c0_i32_1 = arith.constant 0 : i32
    return %arg0, %c0_i32, %c0_i32_0 : i32, i32, i32
  }
  func.func @transform_2(%arg0: i32) -> (i32, i32) {
    %c0_i32 = arith.constant 0 : i32
    %c0_i32_0 = arith.constant 0 : i32
    %c0_i32_1 = arith.constant 0 : i32
    return %c0_i32, %c0_i32_0 : i32, i32
  }
  func.func @transform_3(%arg0: i32) -> (i32, i32, i32) {
    %c0_i32 = arith.constant 0 : i32
    %c0_i32_0 = arith.constant 0 : i32
    %c0_i32_1 = arith.constant 0 : i32
    return %arg0, %c0_i32, %c0_i32_0 : i32, i32, i32
  }
  func.func @transform_4(%arg0: i32) -> (i32, i32, i32) {
    %c0_i32 = arith.constant 0 : i32
    %c0_i32_0 = arith.constant 0 : i32
    %c0_i32_1 = arith.constant 0 : i32
    return %arg0, %c0_i32, %c0_i32_0 : i32, i32, i32
  }
}

module attributes {stable_mosaic.version = 14 : i64} {
  func.func @_tc_body(%arg0: i32, %arg1: i32, %arg2: memref<1x1x2304xi32, #tpu.memory_space<vmem>>, %arg3: memref<1x160x128xbf16, #tpu.memory_space<vmem>>, %arg4: memref<2304x128xf32, #tpu.memory_space<vmem>>) attributes {dimension_semantics = [#tpu.dimension_semantics<arbitrary>, #tpu.dimension_semantics<arbitrary>], iteration_bounds = array<i64: 1, 50>, scalar_prefetch = 0 : i64, scratch_operands = 0 : i64, tpu.core_type = #tpu.core_type<tc>, window_params = [{transform_indices = @transform_0, window_bounds = array<i64: 1, 1, 2304>}, {transform_indices = @transform_1, window_bounds = array<i64: 1, 160, 128>}, {transform_indices = @transform_2, window_bounds = array<i64: 2304, 128>}]} {
    %get3A = arith.constant 0 : index
    %get3A_0 = arith.constant 0 : index
    %get3A_1 = arith.constant 0 : index
    %get3A_2 = vector.load %arg2[%get3A, %get3A_0, %get3A_1] : memref<1x1x2304xi32, #tpu.memory_space<vmem>>, vector<1x1x2304xi32>
    %get3A_3 = vector.shape_cast %get3A_2 : vector<1x1x2304xi32> to vector<2304xi32>
    %iota3A = tpu.iota {dimensions = array<i32: 0>} : vector<160x2304xi32>
    %broadcast_in_dim3A = vector.shape_cast %get3A_3 : vector<2304xi32> to vector<1x2304xi32>
    %eq3A = vector.broadcast %broadcast_in_dim3A : vector<1x2304xi32> to vector<160x2304xi32>
    %eq3A_4 = arith.cmpi eq, %iota3A, %eq3A : vector<160x2304xi32>
    %convert_element_type3A = arith.extui %eq3A_4 : vector<160x2304xi1> to vector<160x2304xi32>
    %convert_element_type3A_5 = arith.sitofp %convert_element_type3A : vector<160x2304xi32> to vector<160x2304xf32>
    %convert_element_type3A_6 = arith.truncf %convert_element_type3A_5 : vector<160x2304xf32> to vector<160x2304xbf16>
    %get3A_7 = arith.constant 0 : index
    %get3A_8 = arith.constant 0 : index
    %get3A_9 = arith.constant 0 : index
    %get3A_10 = vector.load %arg3[%get3A_7, %get3A_8, %get3A_9] : memref<1x160x128xbf16, #tpu.memory_space<vmem>>, vector<1x160x128xbf16>
    %get3A_11 = vector.shape_cast %get3A_10 : vector<1x160x128xbf16> to vector<160x128xbf16>
    %dot_general3A = arith.constant dense<0.000000e+00> : vector<2304x128xf32>
    %dot_general3A_12 = tpu.matmul %convert_element_type3A_6, %get3A_11, %dot_general3A {dimension_numbers = #tpu.dot_dimension_numbers<[0], [0], [1], [1], [0, 1, 1, 1], [], []>, transpose_lhs_hint = false} : vector<160x2304xbf16>, vector<160x128xbf16>, vector<2304x128xf32> -> vector<2304x128xf32>
    %eq3A_13 = arith.constant 0 : i32
    %eq3A_14 = arith.cmpi eq, %arg1, %eq3A_13 : i32
    %convert_element_type3A_15 = arith.extui %eq3A_14 : i1 to i32
    %cond3A = arith.constant 0 : i32
    %cond3A_16 = arith.cmpi ne, %convert_element_type3A_15, %cond3A : i32
    scf.if %cond3A_16 {
      %swap3A = arith.constant 0 : index
      %swap3A_21 = arith.constant 0 : index
      %swap3A_22 = vector.load %arg4[%swap3A, %swap3A_21] : memref<2304x128xf32, #tpu.memory_space<vmem>>, vector<2304x128xf32>
      tpu.vector_store %arg4[%swap3A, %swap3A_21], %dot_general3A_12 {strides = array<i32>} : memref<2304x128xf32, #tpu.memory_space<vmem>>, vector<2304x128xf32>,
    } else {
    }
    %ne3A = arith.constant 0 : i32
    %ne3A_17 = arith.cmpi ne, %arg1, %ne3A : i32
    %convert_element_type3A_18 = arith.extui %ne3A_17 : i1 to i32
    %cond3A_19 = arith.constant 0 : i32
    %cond3A_20 = arith.cmpi ne, %convert_element_type3A_18, %cond3A_19 : i32
    scf.if %cond3A_20 {
      %get3A_21 = arith.constant 0 : index
      %get3A_22 = arith.constant 0 : index
      %get3A_23 = vector.load %arg4[%get3A_21, %get3A_22] : memref<2304x128xf32, #tpu.memory_space<vmem>>, vector<2304x128xf32>
      %add3A = arith.addf %get3A_23, %dot_general3A_12 : vector<2304x128xf32>
      %swap3A = arith.constant 0 : index
      %swap3A_24 = arith.constant 0 : index
      %swap3A_25 = vector.load %arg4[%swap3A, %swap3A_24] : memref<2304x128xf32, #tpu.memory_space<vmem>>, vector<2304x128xf32>
      tpu.vector_store %arg4[%swap3A, %swap3A_24], %add3A {strides = array<i32>} : memref<2304x128xf32, #tpu.memory_space<vmem>>, vector<2304x128xf32>,
    } else {
    }
    return
  }
  func.func @transform_0(%arg0: i32, %arg1: i32) -> (i32, i32, i32) {
    %c0_i32 = arith.constant 0 : i32
    %c0_i32_0 = arith.constant 0 : i32
    return %arg1, %c0_i32, %arg0 : i32, i32, i32
  }
  func.func @transform_1(%arg0: i32, %arg1: i32) -> (i32, i32, i32) {
    %c0_i32 = arith.constant 0 : i32
    %c0_i32_0 = arith.constant 0 : i32
    %c0_i32_1 = arith.constant 0 : i32
    return %arg1, %c0_i32, %c0_i32_0 : i32, i32, i32
  }
  func.func @transform_2(%arg0: i32, %arg1: i32) -> (i32, i32) {
    %c0_i32 = arith.constant 0 : i32
    %c0_i32_0 = arith.constant 0 : i32
    return %arg0, %c0_i32 : i32, i32
  }
}

</mosaic_0001>

<sc_bundles>
// kernel: kernel.5.cloned.1.call-start
scs
__scs_entry_jumppad:
0x0: {  	(pc) =	sbr.rel $0x88, $3  }
0x1: {  	(tag) =	ssettag $0x0;
	lr =	simm.s32 $0x1  }
0x2: {  	[smem:$0x3F9D] =	sst lr;
	_ =	strace $0xD0000000  }
0x3: {  	_ = 	snop  }
0x4: {  	_ = 	snop  }
0x5: {  	_ = 	snop  }
0x6: {  	_ = 	snop  }
0x7: {  	_ = 	snop  }
__scs_overlays_trampoline_lowered:
0x8: {  	[smem:$0x3FAC] =	sst s0  }
0x9: {  	[smem:$0x3FAD] =	sst s1  }
0xa: {  	[smem:$0x3FAE] =	sst s2  }
0xb: {  	[smem:$0x3FAF] =	sst s3  }
0xc: {  	[smem:$0x3FB0] =	sst s4  }
0xd: {  	[smem:$0x3FB1] =	sst s5  }
0xe: {  	[smem:$0x3FB2] =	sst s6  }
0xf: {  	[smem:$0x3FB3] =	sst s7  }
0x10: {  	[smem:$0x3FB4] =	sst s8  }
0x11: {  	[smem:$0x3FB5] =	sst s9;
	s0 =	simm.s32 @!p0 $0x0  }
0x12: {  	s1 =	sld [smem:$0x3F9B];
	s0 =	simm.s32 @p0 $0x1  }
0x13: {  	[smem:$0x3FB6] =	sst s0;
	s0 =	simm.s32 @!p1 $0x0  }
0x14: {  	s2 =	sld [smem:$0x3F9A];
	s0 =	simm.s32 @p1 $0x1  }
0x15: {  	[smem:$0x3FB7] =	sst s0;
	s0 =	simm.s32 @!p2 $0x0  }
0x16: {  	s3 =	sld [smem:$0x3FDB];
	s0 =	simm.s32 @p2 $0x1  }
0x17: {  	s4 =	simm.s32 $0x1BF5;
	[smem:$0x3FB9] =	sst s0  }
0x18: {  	s0 =	sld [smem:$0x3F9C];
	_ =	swait.ge [sflag:s4], $0x0  }
0x19: {  	s7 =	sld [smem:$0x3F9D]  }
0x1a: {  	s8 =	sadd.s32 $0xFFFFE003, lr  }
0x1b: {  	s9 =	sadd.s32 $0xFFFFFEF7, lr;
	s5 =	simm.s32 $0xFFFFFFFF;
	p2 =	slt.u32 s8, $0xFFFFF086  }
0x1c: {  	p1 =	slt.u32 s9, $0xF7A;
	s5 =	simm.s32 @!p2 $0x0  }
0x1d: {  	s5 =	simm.s32 @p1 $0x1;
	p0 =	seq.s32 s7, s2  }
0x1e: {  	s7 =	smul.u32 @!p0 $0xF7A, s2;
	p2 =	seq.s32 @!p0 s5, $0x0  }
0x1f: {  	s9 =	smul.u32 $0xF7A, s1;
	s8 =	simm.s32 @!p0 $0x1BF5;
	p2 =	por !p2, p0  }
0x20: {  	[sflag:s8] =	ssyncset.s32 @!p0 $0xFFFFF086;
	s6 =	sadd.s32 @!p0 s3, s7;
	s7 =	simm.s32 @!p0 $0x108  }
0x21: {  	s3 =	sadd.s32 s3, s9;
	s6 =	sadd.s32 @!p0 $0x88, s6;
	s7 =	simm.s32 @p2 $0x1082  }
0x22: {  	[simem:s7], [sflag:s8] =	dma.local @!p0 [hbm:s6], $0xF7A  }
0x23: {  	s9 =	sor.u32 $0xD0000000, s2;
	s6 =	simm.s32 $0x108;
	_ =	swait.ge @!p0 [sflag:s8], $0x0  }
0x24: {  	s3 =	sadd.s32 $0x88, s3;
	s6 =	simm.s32 @!p1 $0x1082;
	[sflag:s4] =	ssyncset.s32 $0xFFFFF086  }
0x25: {  	[simem:s6], [sflag:s4] =	dma.local [hbm:s3], $0xF7A  }
0x26: {  	[smem:$0x3F9D] =	sst s1;
	(tag) =	ssettag s2;
	_ =	strace s9  }
0x27: {  	s1 =	sld [smem:$0x3FAD]  }
0x28: {  	s2 =	sld [smem:$0x3FAE]  }
0x29: {  	s4 =	sld [smem:$0x3FB0]  }
0x2a: {  	p0 =	seq.s32 s5, $0x0;
	s5 =	sld [smem:$0x3FB1]  }
0x2b: {  	s6 =	sld [smem:$0x3FB2]  }
0x2c: {  	s7 =	sld [smem:$0x3FB3]  }
0x2d: {  	s3 =	simm.s32 $0x108;
	s8 =	sld [smem:$0x3FB4]  }
0x2e: {  	s3 =	simm.s32 @!p0 $0x1082;
	s9 =	sld [smem:$0x3FB5]  }
0x2f: {  	lr =	sadd.s32 s0, s3;
	s0 =	sld [smem:$0x3FAC]  }
0x30: {  	s3 =	sld [smem:$0x3FAF]  }
0x31: {  	[smem:$0x3FB8] =	sst s10  }
0x32: {  	s10 =	sld [smem:$0x3FB6];
	_ =	sdelay $0x3  }
0x33: {  	p0 =	seq.s32 s10, $0x1;
	s10 =	sld [smem:$0x3FB8];
	_ =	sdelay $0x3  }
0x34: {  	[smem:$0x3FB8] =	sst s10  }
0x35: {  	s10 =	sld [smem:$0x3FB7];
	_ =	sdelay $0x3  }
0x36: {  	p1 =	seq.s32 s10, $0x1;
	s10 =	sld [smem:$0x3FB8];
	_ =	sdelay $0x3  }
0x37: {  	[smem:$0x3FB8] =	sst s10  }
0x38: {  	s10 =	sld [smem:$0x3FB9]  }
0x39: {  	_ = 	snop;
	(pc) =	sbr.ind lr, $3  }
0x3a: {  	_ = 	snop  }
0x3b: {  	_ = 	snop  }
0x3c: {  	p2 =	seq.s32 s10, $0x1;
	s10 =	sld [smem:$0x3FB8]  }
0x3d: {  	_ =	shalt  }
0x3e: {  	_ =	shalt  }
0x3f: {  	_ =	shalt  }
0x40: {  	_ =	shalt  }
0x41: {  	_ =	shalt  }
0x42: {  	_ =	shalt  }
0x43: {  	_ =	shalt  }
0x44: {  	_ =	shalt  }
0x45: {  	_ =	shalt  }
0x46: {  	_ =	shalt  }
0x47: {  	_ =	shalt  }
0x48: {  	_ =	shalt  }
0x49: {  	_ =	shalt  }
0x4a: {  	_ =	shalt  }
0x4b: {  	_ =	shalt  }
0x4c: {  	_ =	shalt  }
0x4d: {  	_ =	shalt  }
0x4e: {  	_ =	shalt  }
0x4f: {  	_ =	shalt  }
0x50: {  	_ =	shalt  }
0x51: {  	_ =	shalt  }
0x52: {  	_ =	shalt  }
0x53: {  	_ =	shalt  }
0x54: {  	_ =	shalt  }
0x55: {  	_ =	shalt  }
0x56: {  	_ =	shalt  }
0x57: {  	_ =	shalt  }
0x58: {  	_ =	shalt  }
0x59: {  	_ =	shalt  }
0x5a: {  	_ =	shalt  }
0x5b: {  	_ =	shalt  }
0x5c: {  	_ =	shalt  }
0x5d: {  	_ =	shalt  }
0x5e: {  	_ =	shalt  }
0x5f: {  	_ =	shalt  }
0x60: {  	_ =	shalt  }
0x61: {  	_ =	shalt  }
0x62: {  	_ =	shalt  }
0x63: {  	_ =	shalt  }
0x64: {  	_ =	shalt  }
0x65: {  	_ =	shalt  }
0x66: {  	_ =	shalt  }
0x67: {  	_ =	shalt  }
0x68: {  	_ =	shalt  }
0x69: {  	_ =	shalt  }
0x6a: {  	_ =	shalt  }
0x6b: {  	_ =	shalt  }
0x6c: {  	_ =	shalt  }
0x6d: {  	_ =	shalt  }
0x6e: {  	_ =	shalt  }
0x6f: {  	_ =	shalt  }
0x70: {  	_ =	shalt  }
0x71: {  	_ =	shalt  }
0x72: {  	_ =	shalt  }
0x73: {  	_ =	shalt  }
0x74: {  	_ =	shalt  }
0x75: {  	_ =	shalt  }
0x76: {  	_ =	shalt  }
0x77: {  	_ =	shalt  }
0x78: {  	_ =	shalt  }
0x79: {  	_ =	shalt  }
0x7a: {  	_ =	shalt  }
0x7b: {  	_ =	shalt  }
0x7c: {  	_ =	shalt  }
0x7d: {  	_ =	shalt  }
0x7e: {  	_ =	shalt  }
0x7f: {  	_ =	shalt  }
0x80: {  	_ =	shalt  }
0x81: {  	_ =	shalt  }
0x82: {  	_ =	shalt  }
0x83: {  	_ =	shalt  }
0x84: {  	_ =	shalt  }
0x85: {  	_ =	shalt  }
0x86: {  	_ =	shalt  }
0x87: {  	_ =	shalt  }
.Lfunc_end0:
.L_simem_size_0:
called_computation_lowered:
.L_overlay_start_0:
0x88: {  	s2 =	sld [smem:$0x3FD9]  }
0x89: {  	s3 =	sld [smem:$0x3FFE];
	_ =	sdelay $0x1  }
0x8a: {  	s1 =	srdreg.scid  }
0x8b: {  	s0 =	sand.u32 $0x1, s1  }
0x8c: {  	s17 =	sshll.u32 s0, $0xA;
	s2 =	sadd.s32 s3, s2  }
0x8d: {  	s2 =	sadd.s32 s2, s17  }
0x8e: {  	[smem:$0x3FC4] =	sst s2  }
0x8f: {  	_ = 	snop  }
0x90: {  	s2 =	sld [smem:$0x3FD0];
	(tm) =	ssettm $0x1  }
0x91: {  	s18 =	sld [smem:$0x3FFB];
	_ =	sdelay $0x3  }
0x92: {  	_ =	strace s18  }
0x93: {  	s3 =	sld [smem:$0x3FFC];
	_ =	sdelay $0x3  }
0x94: {  	_ =	strace s3  }
0x95: {  	s3 =	sld [smem:$0x3FFD];
	_ =	sdelay $0x3  }
0x96: {  	_ =	strace s3  }
0x97: {  	_ =	strace $0x8FFFFFFF  }
0x98: {  	s19 =	sld [smem:$0x3FDB];
	_ =	sdelay $0x1  }
0x99: {  	s4 =	simm.s32 $_scs_section_size  }
0x9a: {  	s5 =	simm.s32 $_size__tile_overlayer_lowered;
	s6 =	simm.s32 $_tile_overlayer_lowered  }
0x9b: {  	s22 =	simm.s32 $0x1BFF;
	s21 =	sshll.u32 s6, $0x1;
	s3 =	sadd.s32 s4, s19  }
0x9c: {  	s7 =	simm.s32 $0x0;
	s20 =	sshll.u32 s5, $0x1;
	s5 =	sadd.s32 s21, s3  }
0x9d: {  	[timem:s7], [sflag:s22] =	dma.local [hbm:s5], s20  }
0x9e: {  	_ =	swait.ge [sflag:s22], s20  }
0x9f: {  	s4 =	ssub.s32 $0x0, s20;
	[sflag:s22] =	ssyncset.done $0x0  }
0xa0: {  	[sflag:s22] =	ssyncadd.s32 s4;
	_ =	sdelay $0x1  }
0xa1: {  	s23 =	simm.s32 $0x1B8B  }
0xa2: {  	_ =	swait.ge [sflag:s23], $0x1  }
0xa3: {  	[sflag:s23] =	ssyncset.done $0x0  }
0xa4: {  	s25 =	simm.s32 $0x1B8E;
	s24 =	sld [smem:$0x3FFE];
	[sflag:s23] =	ssyncadd.s32 $0xFFFFFFFF  }
0xa5: {  	s26 =	simm.s32 $execute0_lowered;
	[smem:$0x3FD2] =	sst s25  }
0xa6: {  	s5 =	sshll.u32 s26, $0x1;
	_ =	strace $0x80000046;
	[dreg:$0x1] =	wrdreg $0xFFFFFFFF  }
0xa7: {  	s28 =	simm.s32 $_size_execute0_lowered;
	s3 =	sadd.s32 s3, s5;
	[dreg:$0x0] =	wrdreg $0x0  }
0xa8: {  	s5 =	sshll.u32 s28, $0x1;
	[dreg:$0x2] =	wrdreg s3  }
0xa9: {  	[dreg:$0x3] =	wrdreg s5  }
0xaa: {  	[dreg:$0x4] =	wrdreg $0xC0  }
0xab: {  	_ =	task [dreg:s7], $0x5FFFF  }
0xac: {  	[dreg:$0x1] =	wrdreg $0xFFFFFFFF  }
0xad: {  	[dreg:$0x0] =	wrdreg $0x60  }
0xae: {  	[dreg:$0x2] =	wrdreg s24  }
0xaf: {  	[dreg:$0x3] =	wrdreg s2  }
0xb0: {  	[dreg:$0x4] =	wrdreg $0x9  }
0xb1: {  	_ =	task.clear_ibuf [dreg:s7], $0x5FFFF;
	_ =	strace $0x90000046  }
0xb2: {  	s29 =	simm.s32 $0x9;
	_ =	strace $0x80000048  }
0xb3: {  	_ =	swait.ge [sflag:s29], $0x1  }
0xb4: {  	[sflag:s29] =	ssyncadd.s32 $0xFFFFFFFF  }
0xb5: {  	_ =	strace $0x90000048  }
0xb6: {  	_ =	sfence  }
0xb7: {  	s30 =	sld [smem:$0x0];
	_ =	sdelay $0x2  }
0xb8: {  	s31 =	sshll.u32 s1, $0xD;
	s1 =	sshrl.u32 s1, $0x2  }
0xb9: {  	s3 =	sand.u32 $0x4000, s31;
	s1 =	sadd.s32 s1, s30  }
0xba: {  	s0 =	sor.u32 s3, s0;
	s1 =	sshll.u32 s1, $0x11  }
0xbb: {  	s0 =	sor.u32 s1, s0  }
0xbc: {  	s0 =	sadd.s32 $0x8F2B, s0  }
0xbd: {  	[sflag:s0] =	ssyncadd.remote.s32 $0x1  }
0xbe: {  	_ =	sfence.sel $0xFFFF  }
0xbf: {  	[dreg:$0x0] =	wrdreg $0xFFFFFFFF;
	(pc) =	sbr.abs _section_cstart, $3  }
0xc0: {  	[dreg:$0x1] =	wrdreg $0xFFFFFFFF  }
0xc1: {  	_ =	task.clear_ibuf [dreg:s7], $0x2FFFF;
	_ =	strace $0x9FFFFFFF  }
0xc2: {  	(tm) =	ssettm $0x7FFFFFFF  }
0xc3: {  	_ =	shalt  }
tec
execute0_lowered:
.L_overlay_start_1:
0x0: {  	(tag) =	ssettag $0x1  }
0x1: {  	s4 =	rddreg [dreg:$0x0]  }
0x2: {  	s5 =	rddreg [dreg:$0x1];
	s2 =	srdreg.scid  }
0x3: {  	s1 =	stileid.u32;
	s0 =	rddreg [dreg:$0x2];
	s10 =	simm.s32 $0x70  }
0x4: {  	s11 =	simm.s32 $0xB00;
	s12 =	simm.s32 $0x1;
	s13 =	simm.s32 $0x4300  }
0x5: {  	s14 =	simm.s32 $0x2;
	s15 =	simm.s32 $0x7B00;
	s16 =	simm.s32 $0x0  }
0x6: {  	s3 =	sand.u32 $0x1, s2;
	s6 =	sshll.u32 s1, $0x1;
	s2 =	simm.s32 $0x0  }
0x7: {  	s7 =	sshrl.u32 s1, $0x2;
	s6 =	sor.u32 s3, s6;
	[smem:$0x7FF] =	sst s2  }
0x8: {  	s7 =	smul.u32 $0x5800, s7;
	s9 =	ssub.s32 $0x2, s3;
	s8 =	sshll.u32 s6, $0x7  }
0x9: {  	s3 =	sadd.s32 $0x1000, s4;
	s6 =	smul.u32 $0x380, s6;
	s8 =	sand.u32 $0x380, s8  }
0xa: {  	_ =	strace $0x80000047;
	s31 =	sshrl.u32 s9, $0x1;
	s7 =	sor.u32 s7, s8  }
0xb: {  	s6 =	sadd.s32 s6, s4;
	s8 =	ssub.s32 s9, s31;
	s7 =	sshrl.u32 s7, $0x3  }
0xc: {  	s9 =	simm.s32 $0x3;
	s4 =	sadd.s32 s5, s7;
	s5 =	sadd.s32 $0x20400, s6  }
0xd: {  	v0 =	vimm.f32 $0.0e+00;
	s6 =	smax.u32 s8, $0x1;
	s7 =	simm.s32 $0x80;
	s8 =	simm.s32 $0x400  }
.LBB2_1:
0xe: {  	[tilespmem:s2], [sflag:$0x3] =	stream.strided.gather [hbm4b:s4+s7], $0xB00, s8, s7, $0x38;
	[tilespmem:$0x9700] =	vst v63  }
0xf: {  	_ =	swait.ge [sflag:s9], $0xB00  }
0x10: {  	[sflag:s9] =	ssyncset.done $0x0  }
0x11: {  	s17 =	simm.s32 $0x0;
	s18 =	simm.s32 $0x200;
	[sflag:s9] =	ssyncadd.s32 $0xFFFFF500  }
.LBB2_2:
0x12: {  	p0 =	sne.s32 s18, $0x6E00;
	[tilespmem:s17+$0x7B70] =	vst v0  }
0x13: {  	[tilespmem:s17+$0x7B00] =	vst v0  }
0x14: {  	[tilespmem:s17+$0x7B10] =	vst v0  }
.Ltmp0:
0x15: {  	[tilespmem:s17+$0x7B20] =	vst v0;
	(pc) =	sbr.rel @p0 .LBB2_2-.Ltmp0, $4  }
0x16: {  	[tilespmem:s17+$0x7B30] =	vst v0  }
0x17: {  	[tilespmem:s17+$0x7B40] =	vst v0  }
0x18: {  	[tilespmem:s17+$0x7B50] =	vst v0  }
0x19: {  	[tilespmem:s17+$0x7B60] =	vst v0;
	s17 =	sshra.s32 s18, $0x2;
	s18 =	sadd.s32 $0x200, s18  }
0x1a: {  	[tilespmem:s17+$0x7B70] =	vst v0  }
0x1b: {  	[tilespmem:s17+$0x7B00] =	vst v0  }
0x1c: {  	[tilespmem:s17+$0x7B10] =	vst v0  }
0x1d: {  	[tilespmem:s17+$0x7B20] =	vst v0  }
0x1e: {  	[tilespmem:s17+$0x7B30] =	vst v0  }
0x1f: {  	[tilespmem:s17+$0x7B40] =	vst v0  }
0x20: {  	[tilespmem:s17+$0x7B50] =	vst v0  }
0x21: {  	[tilespmem:s17+$0x7B60] =	vst v0;
	s17 =	simm.s32 $0x0  }
0x22: {  	[tilespmem:s11], [sflag:$0x1] =	stream.indirect.gather [hbm4b:s3+s10], $0x80, s17, s10, $0xb8;
	[tilespmem:$0x9700] =	vst v63  }
.LBB2_4:
0x23: {  	s18 =	smul.u32 $0x380, s17  }
0x24: {  	_ =	swait.ge [sflag:s12], $0x3800  }
0x25: {  	[sflag:s12] =	ssyncset.done $0x0;
	s18 =	sshra.s32 s18, $0x2  }
0x26: {  	[sflag:s12] =	ssyncadd.s32 $0xFFFFC800;
	s19 =	sadd.s32 $0x70, s18  }
0x27: {  	[tilespmem:s13], [sflag:$0x2] =	stream.indirect.gather [hbm4b:s3+s10], $0x80, s19, s10, $0xb8;
	[tilespmem:$0x9700] =	vst v63  }
0x28: {  	s19 =	simm.s32 $0x0  }
0x29: {  	s20 =	simm.s32 $0x200;
	v1 =	vld [tilespmem:s19+$0xB70]  }
.LBB2_5:
0x2a: {  	p0 =	sne.s32 s20, $0x6E00;
	v2 =	vld [tilespmem:s19+$0x2770]  }
0x2b: {  	v3 =	vld [tilespmem:s19+$0xB00]  }
0x2c: {  	v4 =	vld [tilespmem:s19+$0x2700]  }
0x2d: {  	v5 =	vld [tilespmem:s19+$0xB10]  }
0x2e: {  	v6 =	vld [tilespmem:s19+$0x2710]  }
0x2f: {  	v7 =	vld [tilespmem:s19+$0xB20];
	v1 =	vadd.f32 v2, v1  }
0x30: {  	v2 =	vld [tilespmem:s19+$0x2720]  }
0x31: {  	v3 =	vadd.f32 v4, v3;
	[tilespmem:s19+$0x7B70] =	vst.add.f32.msk $0xffff, v1  }
0x32: {  	v1 =	vld [tilespmem:s19+$0xB30]  }
0x33: {  	v4 =	vadd.f32 v6, v5;
	v5 =	vld [tilespmem:s19+$0x2730]  }
0x34: {  	v6 =	vld [tilespmem:s19+$0xB40]  }
0x35: {  	v2 =	vadd.f32 v2, v7;
	v7 =	vld [tilespmem:s19+$0x2740]  }
0x36: {  	v8 =	vld [tilespmem:s19+$0xB50]  }
0x37: {  	v9 =	vld [tilespmem:s19+$0x2750]  }
0x38: {  	v1 =	vadd.f32 v5, v1;
	v5 =	vld [tilespmem:s19+$0xB60]  }
0x39: {  	v10 =	vld [tilespmem:s19+$0x2760]  }
0x3a: {  	[tilespmem:s19+$0x7B00] =	vst.add.f32.msk $0xffff, v3;
	v3 =	vadd.f32 v7, v6  }
0x3b: {  	[tilespmem:s19+$0x7B10] =	vst.add.f32.msk $0xffff, v4  }
0x3c: {  	[tilespmem:s19+$0x7B20] =	vst.add.f32.msk $0xffff, v2;
	v2 =	vadd.f32 v9, v8  }
.Ltmp1:
0x3d: {  	[tilespmem:s19+$0x7B30] =	vst.add.f32.msk $0xffff, v1;
	(pc) =	sbr.rel @p0 .LBB2_5-.Ltmp1, $4  }
0x3e: {  	[tilespmem:s19+$0x7B40] =	vst.add.f32.msk $0xffff, v3;
	v1 =	vadd.f32 v10, v5  }
0x3f: {  	[tilespmem:s19+$0x7B50] =	vst.add.f32.msk $0xffff, v2  }
0x40: {  	[tilespmem:s19+$0x7B60] =	vst.add.f32.msk $0xffff, v1;
	s19 =	sshra.s32 s20, $0x2  }
0x41: {  	s20 =	sadd.s32 $0x200, s20;
	v1 =	vld [tilespmem:s19+$0xB70]  }
0x42: {  	v2 =	vld [tilespmem:s19+$0x2770]  }
0x43: {  	v3 =	vld [tilespmem:s19+$0xB00]  }
0x44: {  	v4 =	vld [tilespmem:s19+$0x2700]  }
0x45: {  	v5 =	vld [tilespmem:s19+$0xB10]  }
0x46: {  	v6 =	vld [tilespmem:s19+$0x2710]  }
0x47: {  	v7 =	vld [tilespmem:s19+$0xB20]  }
0x48: {  	v8 =	vld [tilespmem:s19+$0x2730]  }
0x49: {  	v9 =	vld [tilespmem:s19+$0xB40]  }
0x4a: {  	v10 =	vld [tilespmem:s19+$0x2740]  }
0x4b: {  	v11 =	vld [tilespmem:s19+$0xB50]  }
0x4c: {  	v12 =	vld [tilespmem:s19+$0x2750];
	v1 =	vadd.f32 v2, v1  }
0x4d: {  	v2 =	vld [tilespmem:s19+$0x2720]  }
0x4e: {  	[tilespmem:s19+$0x7B70] =	vst.add.f32.msk $0xffff, v1  }
0x4f: {  	v1 =	vld [tilespmem:s19+$0xB30]  }
0x50: {  	v62 =	vld [tilespmem:s19+$0xB60];
	v3 =	vadd.f32 v4, v3  }
0x51: {  	v63 =	vld [tilespmem:s19+$0x2760];
	v5 =	vadd.f32 v6, v5  }
0x52: {  	[tilespmem:s19+$0x7B00] =	vst.add.f32.msk $0xffff, v3;
	v3 =	vadd.f32 v10, v9  }
0x53: {  	[tilespmem:s19+$0x7B10] =	vst.add.f32.msk $0xffff, v5;
	v2 =	vadd.f32 v2, v7  }
0x54: {  	[tilespmem:s19+$0x7B40] =	vst.add.f32.msk $0xffff, v3;
	v1 =	vadd.f32 v8, v1  }
0x55: {  	[tilespmem:s19+$0x7B20] =	vst.add.f32.msk $0xffff, v2;
	v2 =	vadd.f32 v12, v11  }
0x56: {  	[tilespmem:s19+$0x7B30] =	vst.add.f32.msk $0xffff, v1;
	v1 =	vadd.f32 v63, v62  }
0x57: {  	[tilespmem:s19+$0x7B50] =	vst.add.f32.msk $0xffff, v2  }
0x58: {  	[tilespmem:s19+$0x7B60] =	vst.add.f32.msk $0xffff, v1  }
0x59: {  	_ =	swait.ge [sflag:s14], $0x3800  }
0x5a: {  	[sflag:s14] =	ssyncset.done $0x0  }
0x5b: {  	s18 =	sadd.s32 $0xE0, s18;
	[sflag:s14] =	ssyncadd.s32 $0xFFFFC800  }
0x5c: {  	[tilespmem:s11], [sflag:$0x1] =	stream.indirect.gather [hbm4b:s3+s10], $0x80, s18, s10, $0xb8;
	[tilespmem:$0x9700] =	vst v63  }
0x5d: {  	s18 =	simm.s32 $0x0  }
0x5e: {  	s19 =	simm.s32 $0x200;
	v1 =	vld [tilespmem:s18+$0x4370]  }
.LBB2_7:
0x5f: {  	p0 =	sne.s32 s19, $0x6E00;
	v2 =	vld [tilespmem:s18+$0x5F70]  }
0x60: {  	v3 =	vld [tilespmem:s18+$0x4300]  }
0x61: {  	v4 =	vld [tilespmem:s18+$0x5F00]  }
0x62: {  	v5 =	vld [tilespmem:s18+$0x4310]  }
0x63: {  	v6 =	vld [tilespmem:s18+$0x5F10]  }
0x64: {  	v7 =	vld [tilespmem:s18+$0x4320];
	v1 =	vadd.f32 v2, v1  }
0x65: {  	v2 =	vld [tilespmem:s18+$0x5F20]  }
0x66: {  	v3 =	vadd.f32 v4, v3;
	[tilespmem:s18+$0x7B70] =	vst.add.f32.msk $0xffff, v1  }
0x67: {  	v1 =	vld [tilespmem:s18+$0x4330]  }
0x68: {  	v4 =	vadd.f32 v6, v5;
	v5 =	vld [tilespmem:s18+$0x5F30]  }
0x69: {  	v6 =	vld [tilespmem:s18+$0x4340]  }
0x6a: {  	v2 =	vadd.f32 v2, v7;
	v7 =	vld [tilespmem:s18+$0x5F40]  }
0x6b: {  	v8 =	vld [tilespmem:s18+$0x4350]  }
0x6c: {  	v9 =	vld [tilespmem:s18+$0x5F50]  }
0x6d: {  	v1 =	vadd.f32 v5, v1;
	v5 =	vld [tilespmem:s18+$0x4360]  }
0x6e: {  	v10 =	vld [tilespmem:s18+$0x5F60]  }
0x6f: {  	[tilespmem:s18+$0x7B00] =	vst.add.f32.msk $0xffff, v3;
	v3 =	vadd.f32 v7, v6  }
0x70: {  	[tilespmem:s18+$0x7B10] =	vst.add.f32.msk $0xffff, v4  }
0x71: {  	[tilespmem:s18+$0x7B20] =	vst.add.f32.msk $0xffff, v2;
	v2 =	vadd.f32 v9, v8  }
.Ltmp2:
0x72: {  	[tilespmem:s18+$0x7B30] =	vst.add.f32.msk $0xffff, v1;
	(pc) =	sbr.rel @p0 .LBB2_7-.Ltmp2, $4  }
0x73: {  	[tilespmem:s18+$0x7B40] =	vst.add.f32.msk $0xffff, v3;
	v1 =	vadd.f32 v10, v5  }
0x74: {  	[tilespmem:s18+$0x7B50] =	vst.add.f32.msk $0xffff, v2  }
0x75: {  	[tilespmem:s18+$0x7B60] =	vst.add.f32.msk $0xffff, v1;
	s18 =	sshra.s32 s19, $0x2  }
0x76: {  	s19 =	sadd.s32 $0x200, s19;
	v1 =	vld [tilespmem:s18+$0x4370]  }
0x77: {  	v2 =	vld [tilespmem:s18+$0x5F70]  }
0x78: {  	v3 =	vld [tilespmem:s18+$0x4300]  }
0x79: {  	v4 =	vld [tilespmem:s18+$0x5F00]  }
0x7a: {  	v5 =	vld [tilespmem:s18+$0x4310]  }
0x7b: {  	v6 =	vld [tilespmem:s18+$0x5F10]  }
0x7c: {  	v7 =	vld [tilespmem:s18+$0x4320]  }
0x7d: {  	v8 =	vld [tilespmem:s18+$0x5F30]  }
0x7e: {  	v9 =	vld [tilespmem:s18+$0x4340]  }
0x7f: {  	v10 =	vld [tilespmem:s18+$0x5F40]  }
0x80: {  	v11 =	vld [tilespmem:s18+$0x4350]  }
0x81: {  	v12 =	vld [tilespmem:s18+$0x5F50];
	v1 =	vadd.f32 v2, v1  }
0x82: {  	v2 =	vld [tilespmem:s18+$0x5F20]  }
0x83: {  	[tilespmem:s18+$0x7B70] =	vst.add.f32.msk $0xffff, v1  }
0x84: {  	v1 =	vld [tilespmem:s18+$0x4330]  }
0x85: {  	v62 =	vld [tilespmem:s18+$0x4360];
	v3 =	vadd.f32 v4, v3  }
0x86: {  	v63 =	vld [tilespmem:s18+$0x5F60];
	v5 =	vadd.f32 v6, v5  }
0x87: {  	s17 =	sadd.s32 $0x1, s17;
	[tilespmem:s18+$0x7B00] =	vst.add.f32.msk $0xffff, v3;
	v3 =	vadd.f32 v10, v9  }
0x88: {  	p0 =	sne.s32 s17, $0xC;
	[tilespmem:s18+$0x7B10] =	vst.add.f32.msk $0xffff, v5;
	v2 =	vadd.f32 v2, v7  }
.Ltmp3:
0x89: {  	[tilespmem:s18+$0x7B40] =	vst.add.f32.msk $0xffff, v3;
	v1 =	vadd.f32 v8, v1;
	(pc) =	sbr.rel @p0 .LBB2_4-.Ltmp3, $4  }
0x8a: {  	[tilespmem:s18+$0x7B20] =	vst.add.f32.msk $0xffff, v2;
	v2 =	vadd.f32 v12, v11  }
0x8b: {  	[tilespmem:s18+$0x7B30] =	vst.add.f32.msk $0xffff, v1;
	v1 =	vadd.f32 v63, v62  }
0x8c: {  	[tilespmem:s18+$0x7B50] =	vst.add.f32.msk $0xffff, v2  }
0x8d: {  	[tilespmem:s18+$0x7B60] =	vst.add.f32.msk $0xffff, v1  }
0x8e: {  	_ =	swait.ge [sflag:s12], $0x3800  }
0x8f: {  	[sflag:s12] =	ssyncset.done $0x0  }
0x90: {  	s17 =	simm.s32 $0x0;
	[sflag:s12] =	ssyncadd.s32 $0xFFFFC800  }
0x91: {  	s18 =	simm.s32 $0x200;
	v1 =	vld [tilespmem:s17+$0xB70]  }
.LBB2_10:
0x92: {  	p0 =	sne.s32 s18, $0x6E00;
	v2 =	vld [tilespmem:s17+$0x2770]  }
0x93: {  	v3 =	vld [tilespmem:s17+$0xB00]  }
0x94: {  	v4 =	vld [tilespmem:s17+$0x2700]  }
0x95: {  	v5 =	vld [tilespmem:s17+$0xB10]  }
0x96: {  	v6 =	vld [tilespmem:s17+$0x2710]  }
0x97: {  	v7 =	vld [tilespmem:s17+$0xB20];
	v1 =	vadd.f32 v2, v1  }
0x98: {  	v2 =	vld [tilespmem:s17+$0x2720]  }
0x99: {  	v3 =	vadd.f32 v4, v3;
	[tilespmem:s17+$0x7B70] =	vst.add.f32.msk $0xffff, v1  }
0x9a: {  	v1 =	vld [tilespmem:s17+$0xB30]  }
0x9b: {  	v4 =	vadd.f32 v6, v5;
	v5 =	vld [tilespmem:s17+$0x2730]  }
0x9c: {  	v6 =	vld [tilespmem:s17+$0xB40]  }
0x9d: {  	v2 =	vadd.f32 v2, v7;
	v7 =	vld [tilespmem:s17+$0x2740]  }
0x9e: {  	v8 =	vld [tilespmem:s17+$0xB50]  }
0x9f: {  	v9 =	vld [tilespmem:s17+$0x2750]  }
0xa0: {  	v1 =	vadd.f32 v5, v1;
	v5 =	vld [tilespmem:s17+$0xB60]  }
0xa1: {  	v10 =	vld [tilespmem:s17+$0x2760]  }
0xa2: {  	[tilespmem:s17+$0x7B00] =	vst.add.f32.msk $0xffff, v3;
	v3 =	vadd.f32 v7, v6  }
0xa3: {  	[tilespmem:s17+$0x7B10] =	vst.add.f32.msk $0xffff, v4  }
0xa4: {  	[tilespmem:s17+$0x7B20] =	vst.add.f32.msk $0xffff, v2;
	v2 =	vadd.f32 v9, v8  }
.Ltmp4:
0xa5: {  	[tilespmem:s17+$0x7B30] =	vst.add.f32.msk $0xffff, v1;
	(pc) =	sbr.rel @p0 .LBB2_10-.Ltmp4, $4  }
0xa6: {  	[tilespmem:s17+$0x7B40] =	vst.add.f32.msk $0xffff, v3;
	v1 =	vadd.f32 v10, v5  }
0xa7: {  	[tilespmem:s17+$0x7B50] =	vst.add.f32.msk $0xffff, v2  }
0xa8: {  	[tilespmem:s17+$0x7B60] =	vst.add.f32.msk $0xffff, v1;
	s17 =	sshra.s32 s18, $0x2  }
0xa9: {  	s18 =	sadd.s32 $0x200, s18;
	v1 =	vld [tilespmem:s17+$0xB70]  }
0xaa: {  	v2 =	vld [tilespmem:s17+$0x2770]  }
0xab: {  	v3 =	vld [tilespmem:s17+$0xB00]  }
0xac: {  	v4 =	vld [tilespmem:s17+$0x2700]  }
0xad: {  	v5 =	vld [tilespmem:s17+$0xB10]  }
0xae: {  	v6 =	vld [tilespmem:s17+$0x2710]  }
0xaf: {  	v7 =	vld [tilespmem:s17+$0xB20]  }
0xb0: {  	v8 =	vld [tilespmem:s17+$0x2730]  }
0xb1: {  	v9 =	vld [tilespmem:s17+$0xB40]  }
0xb2: {  	v10 =	vld [tilespmem:s17+$0x2740]  }
0xb3: {  	v11 =	vld [tilespmem:s17+$0xB50]  }
0xb4: {  	v12 =	vld [tilespmem:s17+$0x2750];
	v1 =	vadd.f32 v2, v1  }
0xb5: {  	v2 =	vld [tilespmem:s17+$0x2720]  }
0xb6: {  	[tilespmem:s17+$0x7B70] =	vst.add.f32.msk $0xffff, v1  }
0xb7: {  	v1 =	vld [tilespmem:s17+$0xB30]  }
0xb8: {  	v62 =	vld [tilespmem:s17+$0xB60];
	v3 =	vadd.f32 v4, v3  }
0xb9: {  	v63 =	vld [tilespmem:s17+$0x2760];
	v5 =	vadd.f32 v6, v5  }
0xba: {  	[tilespmem:s17+$0x7B00] =	vst.add.f32.msk $0xffff, v3;
	v3 =	vadd.f32 v10, v9  }
0xbb: {  	[tilespmem:s17+$0x7B10] =	vst.add.f32.msk $0xffff, v5;
	v2 =	vadd.f32 v2, v7  }
0xbc: {  	[tilespmem:s17+$0x7B40] =	vst.add.f32.msk $0xffff, v3;
	v1 =	vadd.f32 v8, v1  }
0xbd: {  	[tilespmem:s17+$0x7B20] =	vst.add.f32.msk $0xffff, v2;
	v2 =	vadd.f32 v12, v11  }
0xbe: {  	s16 =	sadd.s32 $0x1, s16;
	[tilespmem:s17+$0x7B30] =	vst.add.f32.msk $0xffff, v1;
	v1 =	vadd.f32 v63, v62  }
0xbf: {  	p0 =	sne.s32 s16, s6;
	[tilespmem:s17+$0x7B50] =	vst.add.f32.msk $0xffff, v2  }
.Ltmp5:
0xc0: {  	[tilespmem:s17+$0x7B60] =	vst.add.f32.msk $0xffff, v1;
	(pc) =	sbr.rel @p0 .LBB2_1-.Ltmp5, $4  }
0xc1: {  	[hbm4b:s5+s2] =	stream.linear.scatter [tilespmem:s15], [sflag:$0x3], $0x1C00, $0x38;
	[tilespmem:$0x9700] =	vst v63  }
0xc2: {  	_ =	swait.ge [sflag:s9], $0x1C00  }
0xc3: {  	[sflag:s9] =	ssyncset.done $0x0  }
0xc4: {  	[sflag:s9] =	ssyncadd.s32 $0xFFFFE400  }
0xc5: {  	_ =	sfence.sel $0x180000  }
0xc6: {  	[bflag:$0x0] =	sbarrier.arrive $0xFFFF  }
0xc7: {  	p0 =	sne.s32 s1, $0x0;
	_ =	strace $0x90000047  }
0xc8: {  	s0 =	sadd.s32 @!p0 $0x100000, s0;
	[bflag:$0x2] =	sbarrier.arrive $0xFFFF  }
0xc9: {  	[sflag:s0] =	ssyncadd.tile.s32 @!p0 $0x1;
	_ =	shalt  }
.Lfunc_end2:
_tile_overlayer_lowered:
.L_overlay_start_2:
0xca: {  	(tag) =	ssettag $0x2  }
0xcb: {  	s0 =	rddreg [dreg:$0x0];
	s2 =	stileid.u32  }
0xcc: {  	s1 =	rddreg [dreg:$0x1];
	p0 =	sne.s32 s2, $0x0  }
0xcd: {  	s3 =	rddreg [dreg:$0x2];
	[bflag:$0x3] =	sbarrier.arrive $0xFFFF;
	s2 =	simm.s32 @!p0 $0x1C03  }
0xce: {  	[timem:s3], [sflag:s2] =	dma.local @!p0 [hbm:s0], s1  }
0xcf: {  	s0 =	simm.s32 @!p0 $0x3  }
0xd0: {  	_ =	swait.ge @!p0 [sflag:s0], s1  }
0xd1: {  	s1 =	ssub.s32 @!p0 $0x0, s1;
	[sflag:s0] =	ssyncset.done @!p0 $0x0  }
0xd2: {  	[sflag:s0] =	ssyncadd.s32 @!p0 s1  }
0xd3: {  	[bflag:$0x3] =	sbarrier.arrive $0xFFFF  }
0xd4: {  	_ =	shalt  }

</sc_bundles>
